<compile_context>
chip_gen: v7x
topology: tpu7x:2x2x1
jax: 0.10.2.dev20260603
libtpu: 0.0.44.dev20260713+nightly
codegen_flags: <defaults>
</compile_context>

<pallas_src>
import functools
import math

import jax
import jax.numpy as jnp
from jax import lax
from jax.experimental import pallas as pl
from jax.experimental.pallas import tpu as pltpu
from jax.experimental.pallas import tpu_sc as plsc

D_MODEL = 128
SCALE = math.sqrt(float(D_MODEL))
NUM_CORES = 2
NUM_SUBCORES = 16
NUM_WORKERS = NUM_CORES * NUM_SUBCORES
LANES = 16
CHUNK = 128


def _scale_chunk(buf):

    def row_body(i, _):
        for j in range(D_MODEL // LANES):
            sl = pl.ds(j * LANES, LANES)
            buf[i, sl] = buf[i, sl] * SCALE
        return 0

    lax.fori_loop(0, CHUNK, row_body, 0)


@functools.partial(jax.jit, static_argnames=("n_chunks",))
def _embed_sc(x2d, table, n_chunks):
    rows_total = NUM_WORKERS * n_chunks * CHUNK
    mesh = plsc.VectorSubcoreMesh(core_axis_name="c", subcore_axis_name="s")
    NBUF = 5
    PD = 2

    @functools.partial(
        pl.kernel,
        mesh=mesh,
        out_type=jax.ShapeDtypeStruct((rows_total, D_MODEL), jnp.float32),
        scratch_types=[
            pltpu.VMEM((n_chunks, CHUNK), jnp.int32),
        ]
        + [pltpu.VMEM((CHUNK, D_MODEL), jnp.float32)] * NBUF
        + [pltpu.SemaphoreType.DMA] * (2 * NBUF),
    )
    def k(x_hbm, table_hbm, out_hbm, idx_v, *bufs_sems):
        bufs = bufs_sems[:NBUF]
        gsems = bufs_sems[NBUF : 2 * NBUF]
        ssems = bufs_sems[2 * NBUF :]
        wid = lax.axis_index("s") * NUM_CORES + lax.axis_index("c")
        row_base = wid * (n_chunks * CHUNK)

        pltpu.sync_copy(x_hbm.at[pl.ds(wid * n_chunks, n_chunks)], idx_v)

        def start_gather(g, p):
            pltpu.make_async_copy(
                table_hbm.at[idx_v.at[g]], bufs[p], gsems[p]
            ).start()

        def wait_gather(p):
            pltpu.make_async_copy(
                table_hbm.at[pl.ds(0, CHUNK)], bufs[p], gsems[p]
            ).wait()

        def start_scatter(g, p):
            pltpu.make_async_copy(
                bufs[p], out_hbm.at[pl.ds(row_base + g * CHUNK, CHUNK)], ssems[p]
            ).start()

        def wait_scatter(p):
            pltpu.make_async_copy(
                bufs[p], out_hbm.at[pl.ds(row_base, CHUNK)], ssems[p]
            ).wait()

        start_gather(0, 0)
        start_gather(1, 1)

        def loop_body(gg, _):
            for b in range(NBUF):
                g = gg + b
                p = b
                pf = (b + PD) % NBUF
                if b < NBUF - PD:
                    @pl.when(gg > 0)
                    def _():
                        wait_scatter(pf)

                    start_gather(g + PD, pf)
                else:
                    @pl.when(gg < n_chunks - NBUF)
                    def _():
                        wait_scatter(pf)
                        start_gather(g + PD, pf)

                wait_gather(p)
                _scale_chunk(bufs[p])
                start_scatter(g, p)
            return 0

        lax.fori_loop(0, n_chunks // NBUF, lambda t, c: loop_body(t * NBUF, c), 0)

        for p in range(NBUF):
            wait_scatter(p)

    return k(x2d, table)


def kernel(x, table):
    seq_shape = x.shape
    n_idx = x.size
    assert n_idx % (NUM_WORKERS * CHUNK) == 0
    n_chunks = n_idx // (NUM_WORKERS * CHUNK)
    x2d = jnp.reshape(x.astype(jnp.int32), (NUM_WORKERS * n_chunks, CHUNK))
    out = _embed_sc(x2d, table, n_chunks)
    return jnp.reshape(out, seq_shape + (D_MODEL,))

# --- scband reference (transcript-rebuilt; emitter-appended) ---
"""Pipeline reference for scband-input-embeddings-6253472383736 (READ-ONLY COPY).

The authoritative reference and input builder live on the scoring server;
editing this copy changes nothing except your own understanding.
"""

import jax, jax.numpy as jnp
import numpy as np
import math

D_MODEL = 128
VOCAB_SIZE = 1000000

def setup_inputs(seed: int = 0) -> dict:
    key = jax.random.key(seed)
    k_idx, k_tab = jax.random.split(key)
    x = jax.random.randint(k_idx, (4096, 200), 0, VOCAB_SIZE, dtype=jnp.int64 if jax.config.jax_enable_x64 else jnp.int32)
    table = jax.random.normal(k_tab, (VOCAB_SIZE, D_MODEL), dtype=jnp.float32)
    return {"x": x, "table": table}

def reference(x, table):
    # InputEmbeddings.forward: embedding lookup scaled by sqrt(d_model)
    emb = jnp.take(table, x, axis=0)
    return emb * math.sqrt(D_MODEL)

if __name__ == "__main__":
    import jax
    _d = setup_inputs()
    print(jax.jit(kernel)(*tuple(_d.values())))

</pallas_src>

<mosaic_0001>
#map = affine_map<(d0, d1) -> (0, 0)>
module attributes {stable_mosaic.version = 14 : i64} {
  func.func @k(%arg0: i32, %arg1: i32, %arg2: memref<6400x128xi32, #tpu.memory_space<hbm>>, %arg3: memref<1000000x128xf32, #tpu.memory_space<hbm>>, %arg4: memref<819200x128xf32, #tpu.memory_space<hbm>>, %arg5: memref<200x128xi32, #tpu.memory_space<vmem>>, %arg6: memref<128x128xf32, #tpu.memory_space<vmem>>, %arg7: memref<128x128xf32, #tpu.memory_space<vmem>>, %arg8: memref<128x128xf32, #tpu.memory_space<vmem>>, %arg9: memref<128x128xf32, #tpu.memory_space<vmem>>, %arg10: memref<128x128xf32, #tpu.memory_space<vmem>>, %arg11: memref<!tpu.dma_semaphore, #tpu.memory_space<semaphore_mem>>, %arg12: memref<!tpu.dma_semaphore, #tpu.memory_space<semaphore_mem>>, %arg13: memref<!tpu.dma_semaphore, #tpu.memory_space<semaphore_mem>>, %arg14: memref<!tpu.dma_semaphore, #tpu.memory_space<semaphore_mem>>, %arg15: memref<!tpu.dma_semaphore, #tpu.memory_space<semaphore_mem>>, %arg16: memref<!tpu.dma_semaphore, #tpu.memory_space<semaphore_mem>>, %arg17: memref<!tpu.dma_semaphore, #tpu.memory_space<semaphore_mem>>, %arg18: memref<!tpu.dma_semaphore, #tpu.memory_space<semaphore_mem>>, %arg19: memref<!tpu.dma_semaphore, #tpu.memory_space<semaphore_mem>>, %arg20: memref<!tpu.dma_semaphore, #tpu.memory_space<semaphore_mem>>) attributes {dimension_semantics = [#tpu.dimension_semantics<core_parallel>, #tpu.dimension_semantics<subcore_parallel>], iteration_bounds = array<i64: 2, 16>, scalar_prefetch = 0 : i64, scratch_operands = 16 : i64, tpu.core_type = #tpu.core_type<sc_vector_subcore>, window_params = [{transform_indices = #map}, {transform_indices = #map}, {transform_indices = #map}]} {
    %mul3A = arith.constant 2 : i32
    %mul3A_0 = arith.muli %arg1, %mul3A : i32
    %add3A = arith.addi %mul3A_0, %arg0 : i32
    %mul3A_1 = arith.constant 25600 : i32
    %mul3A_2 = arith.muli %add3A, %mul3A_1 : i32
    %mul3A_3 = arith.constant 200 : i32
    %mul3A_4 = arith.muli %add3A, %mul3A_3 : i32
    "tpu.region"() ({
      %run_scoped3A = tpu.sem_alloc : memref<!tpu.dma_semaphore, #tpu.memory_space<semaphore_mem>>
      %dma_start3A_43 = arith.constant 0 : i32
      %dma_start3A_44 = tpu.memref_slice %arg2[%mul3A_4, %dma_start3A_43] : memref<6400x128xi32, #tpu.memory_space<hbm>> -> memref<200x128xi32, #tpu.memory_space<hbm>>
      %dma_start3A_45 = arith.constant 0 : i32
      %dma_start3A_46 = tpu.memref_slice %arg2[%mul3A_4, %dma_start3A_45] : memref<6400x128xi32, #tpu.memory_space<hbm>> -> memref<200x128xi32, #tpu.memory_space<hbm>>
      tpu.enqueue_dma source(%dma_start3A_46 : memref<200x128xi32, #tpu.memory_space<hbm>>) target(%arg5 : memref<200x128xi32, #tpu.memory_space<vmem>>) target_semaphore(%run_scoped3A : memref<!tpu.dma_semaphore, #tpu.memory_space<semaphore_mem>>)
      %dma_wait3A_47 = arith.constant 0 : i32
      %dma_wait3A_48 = tpu.memref_slice %arg2[%mul3A_4, %dma_wait3A_47] : memref<6400x128xi32, #tpu.memory_space<hbm>> -> memref<200x128xi32, #tpu.memory_space<hbm>>
      %dma_wait3A_49 = arith.constant 0 : i32
      %dma_wait3A_50 = tpu.memref_slice %arg2[%mul3A_4, %dma_wait3A_49] : memref<6400x128xi32, #tpu.memory_space<hbm>> -> memref<200x128xi32, #tpu.memory_space<hbm>>
      tpu.wait_dma2 semaphore(%run_scoped3A : memref<!tpu.dma_semaphore, #tpu.memory_space<semaphore_mem>>) src(%dma_wait3A_50 : memref<200x128xi32, #tpu.memory_space<hbm>>) dst(%arg5 : memref<200x128xi32, #tpu.memory_space<vmem>>)
      tpu.yield
    }) : () -> ()
    %dma_start3A = arith.constant 0 : i32
    %dma_start3A_5 = arith.constant 0 : i32
    %dma_start3A_6 = tpu.memref_slice %arg5[%dma_start3A, %dma_start3A_5] : memref<200x128xi32, #tpu.memory_space<vmem>> -> memref<1x128xi32, #tpu.memory_space<vmem>>
    %dma_start3A_7 = tpu.memref_squeeze %dma_start3A_6 : memref<1x128xi32, #tpu.memory_space<vmem>> -> memref<128xi32, #tpu.memory_space<vmem>>
    %dma_start3A_8 = arith.constant 0 : i32
    %dma_start3A_9 = arith.constant 0 : i32
    %dma_start3A_10 = tpu.memref_slice %arg3[%dma_start3A_8, %dma_start3A_9] : memref<1000000x128xf32, #tpu.memory_space<hbm>> -> memref<1000000x128xf32, #tpu.memory_space<hbm>>
    tpu.enqueue_indirect_dma source(%dma_start3A_10 : memref<1000000x128xf32, #tpu.memory_space<hbm>>) target(%arg6 : memref<128x128xf32, #tpu.memory_space<vmem>>) offsets(%dma_start3A_7 : memref<128xi32, #tpu.memory_space<vmem>>) semaphore(%arg11 : memref<!tpu.dma_semaphore, #tpu.memory_space<semaphore_mem>>)
    %dma_start3A_11 = arith.constant 1 : i32
    %dma_start3A_12 = arith.constant 0 : i32
    %dma_start3A_13 = tpu.memref_slice %arg5[%dma_start3A_11, %dma_start3A_12] : memref<200x128xi32, #tpu.memory_space<vmem>> -> memref<1x128xi32, #tpu.memory_space<vmem>>
    %dma_start3A_14 = tpu.memref_squeeze %dma_start3A_13 : memref<1x128xi32, #tpu.memory_space<vmem>> -> memref<128xi32, #tpu.memory_space<vmem>>
    %dma_start3A_15 = arith.constant 0 : i32
    %dma_start3A_16 = arith.constant 0 : i32
    %dma_start3A_17 = tpu.memref_slice %arg3[%dma_start3A_15, %dma_start3A_16] : memref<1000000x128xf32, #tpu.memory_space<hbm>> -> memref<1000000x128xf32, #tpu.memory_space<hbm>>
    tpu.enqueue_indirect_dma source(%dma_start3A_17 : memref<1000000x128xf32, #tpu.memory_space<hbm>>) target(%arg7 : memref<128x128xf32, #tpu.memory_space<vmem>>) offsets(%dma_start3A_14 : memref<128xi32, #tpu.memory_space<vmem>>) semaphore(%arg12 : memref<!tpu.dma_semaphore, #tpu.memory_space<semaphore_mem>>)
    %scan3A = arith.constant 0 : i32
    %scan3A_18 = arith.constant 0 : i32
    %scan3A_19 = arith.constant 40 : i32
    %scan3A_20 = arith.addi %scan3A_18, %scan3A_19 : i32
    %scan3A_21 = arith.constant 1 : i32
    %scan3A_22 = scf.for %scan3A_43 = %scan3A_18 to %scan3A_20 step %scan3A_21 iter_args(%scan3A_44 = %scan3A) -> (i32)  : i32 {
      %mul3A_45 = arith.constant 5 : i32
      %mul3A_46 = arith.muli %scan3A_43, %mul3A_45 : i32
      %add3A_47 = arith.constant 0 : i32
      %add3A_48 = arith.addi %mul3A_46, %add3A_47 : i32
      %gt3A = arith.constant 0 : i32
      %gt3A_49 = arith.cmpi sgt, %mul3A_46, %gt3A : i32
      %convert_element_type3A = arith.extui %gt3A_49 : i1 to i32
      %cond3A = arith.constant 0 : i32
      %cond3A_50 = arith.cmpi ne, %convert_element_type3A, %cond3A : i32
      scf.if %cond3A_50 {
        %dma_wait3A_203 = arith.constant 0 : i32
        %dma_wait3A_204 = tpu.memref_slice %arg4[%mul3A_2, %dma_wait3A_203] : memref<819200x128xf32, #tpu.memory_space<hbm>> -> memref<128x128xf32, #tpu.memory_space<hbm>>
        %dma_wait3A_205 = arith.constant 0 : i32
        %dma_wait3A_206 = tpu.memref_slice %arg4[%mul3A_2, %dma_wait3A_205] : memref<819200x128xf32, #tpu.memory_space<hbm>> -> memref<128x128xf32, #tpu.memory_space<hbm>>
        tpu.wait_dma2 semaphore(%arg18 : memref<!tpu.dma_semaphore, #tpu.memory_space<semaphore_mem>>) src(%arg8 : memref<128x128xf32, #tpu.memory_space<vmem>>) dst(%dma_wait3A_206 : memref<128x128xf32, #tpu.memory_space<hbm>>)
      } else {
      }
      %add3A_51 = arith.constant 2 : i32
      %add3A_52 = arith.addi %add3A_48, %add3A_51 : i32
      %dma_start3A_53 = arith.constant 0 : i32
      %dma_start3A_54 = tpu.memref_slice %arg5[%add3A_52, %dma_start3A_53] : memref<200x128xi32, #tpu.memory_space<vmem>> -> memref<1x128xi32, #tpu.memory_space<vmem>>
      %dma_start3A_55 = tpu.memref_squeeze %dma_start3A_54 : memref<1x128xi32, #tpu.memory_space<vmem>> -> memref<128xi32, #tpu.memory_space<vmem>>
      %dma_start3A_56 = arith.constant 0 : i32
      %dma_start3A_57 = arith.constant 0 : i32
      %dma_start3A_58 = tpu.memref_slice %arg3[%dma_start3A_56, %dma_start3A_57] : memref<1000000x128xf32, #tpu.memory_space<hbm>> -> memref<1000000x128xf32, #tpu.memory_space<hbm>>
      tpu.enqueue_indirect_dma source(%dma_start3A_58 : memref<1000000x128xf32, #tpu.memory_space<hbm>>) target(%arg8 : memref<128x128xf32, #tpu.memory_space<vmem>>) offsets(%dma_start3A_55 : memref<128xi32, #tpu.memory_space<vmem>>) semaphore(%arg13 : memref<!tpu.dma_semaphore, #tpu.memory_space<semaphore_mem>>)
      %dma_wait3A_59 = arith.constant 0 : i32
      %dma_wait3A_60 = arith.constant 0 : i32
      %dma_wait3A_61 = tpu.memref_slice %arg3[%dma_wait3A_59, %dma_wait3A_60] : memref<1000000x128xf32, #tpu.memory_space<hbm>> -> memref<128x128xf32, #tpu.memory_space<hbm>>
      %dma_wait3A_62 = arith.constant 0 : i32
      %dma_wait3A_63 = arith.constant 0 : i32
      %dma_wait3A_64 = tpu.memref_slice %arg3[%dma_wait3A_62, %dma_wait3A_63] : memref<1000000x128xf32, #tpu.memory_space<hbm>> -> memref<128x128xf32, #tpu.memory_space<hbm>>
      tpu.wait_dma2 semaphore(%arg11 : memref<!tpu.dma_semaphore, #tpu.memory_space<semaphore_mem>>) src(%dma_wait3A_64 : memref<128x128xf32, #tpu.memory_space<hbm>>) dst(%arg6 : memref<128x128xf32, #tpu.memory_space<vmem>>)
      %scan3A_65 = arith.constant 0 : i32
      %scan3A_66 = arith.constant 0 : i32
      %scan3A_67 = arith.constant 128 : i32
      %scan3A_68 = arith.addi %scan3A_66, %scan3A_67 : i32
      %scan3A_69 = arith.constant 1 : i32
      %scan3A_70 = scf.for %scan3A_203 = %scan3A_66 to %scan3A_68 step %scan3A_69 iter_args(%scan3A_204 = %scan3A_65) -> (i32)  : i32 {
        %get3A = arith.index_cast %scan3A_203 : i32 to index
        %get3A_205 = arith.constant 0 : index
        %get3A_206 = tpu.vector_load %arg6[%get3A, %get3A_205] {strides = array<i32>} : memref<128x128xf32, #tpu.memory_space<vmem>>, vector<1x16xf32>,
        %get3A_207 = vector.shape_cast %get3A_206 : vector<1x16xf32> to vector<16xf32>
        %mul3A_208 = arith.constant 11.3137083 : f32
        %mul3A_209 = vector.broadcast %mul3A_208 : f32 to vector<16xf32>
        %mul3A_210 = arith.mulf %get3A_207, %mul3A_209 : vector<16xf32>
        %swap3A = arith.index_cast %scan3A_203 : i32 to index
        %swap3A_211 = arith.constant 0 : index
        %swap3A_212 = tpu.vector_load %arg6[%swap3A, %swap3A_211] {strides = array<i32>} : memref<128x128xf32, #tpu.memory_space<vmem>>, vector<1x16xf32>,
        %swap3A_213 = vector.shape_cast %swap3A_212 : vector<1x16xf32> to vector<16xf32>
        %swap3A_214 = vector.shape_cast %mul3A_210 : vector<16xf32> to vector<1x16xf32>
        tpu.vector_store %arg6[%swap3A, %swap3A_211], %swap3A_214 {strides = array<i32>} : memref<128x128xf32, #tpu.memory_space<vmem>>, vector<1x16xf32>,
        %get3A_215 = arith.index_cast %scan3A_203 : i32 to index
        %get3A_216 = arith.constant 16 : index
        %get3A_217 = tpu.vector_load %arg6[%get3A_215, %get3A_216] {strides = array<i32>} : memref<128x128xf32, #tpu.memory_space<vmem>>, vector<1x16xf32>,
        %get3A_218 = vector.shape_cast %get3A_217 : vector<1x16xf32> to vector<16xf32>
        %mul3A_219 = arith.constant 11.3137083 : f32
        %mul3A_220 = vector.broadcast %mul3A_219 : f32 to vector<16xf32>
        %mul3A_221 = arith.mulf %get3A_218, %mul3A_220 : vector<16xf32>
        %swap3A_222 = arith.index_cast %scan3A_203 : i32 to index
        %swap3A_223 = arith.constant 16 : index
        %swap3A_224 = tpu.vector_load %arg6[%swap3A_222, %swap3A_223] {strides = array<i32>} : memref<128x128xf32, #tpu.memory_space<vmem>>, vector<1x16xf32>,
        %swap3A_225 = vector.shape_cast %swap3A_224 : vector<1x16xf32> to vector<16xf32>
        %swap3A_226 = vector.shape_cast %mul3A_221 : vector<16xf32> to vector<1x16xf32>
        tpu.vector_store %arg6[%swap3A_222, %swap3A_223], %swap3A_226 {strides = array<i32>} : memref<128x128xf32, #tpu.memory_space<vmem>>, vector<1x16xf32>,
        %get3A_227 = arith.index_cast %scan3A_203 : i32 to index
        %get3A_228 = arith.constant 32 : index
        %get3A_229 = tpu.vector_load %arg6[%get3A_227, %get3A_228] {strides = array<i32>} : memref<128x128xf32, #tpu.memory_space<vmem>>, vector<1x16xf32>,
        %get3A_230 = vector.shape_cast %get3A_229 : vector<1x16xf32> to vector<16xf32>
        %mul3A_231 = arith.constant 11.3137083 : f32
        %mul3A_232 = vector.broadcast %mul3A_231 : f32 to vector<16xf32>
        %mul3A_233 = arith.mulf %get3A_230, %mul3A_232 : vector<16xf32>
        %swap3A_234 = arith.index_cast %scan3A_203 : i32 to index
        %swap3A_235 = arith.constant 32 : index
        %swap3A_236 = tpu.vector_load %arg6[%swap3A_234, %swap3A_235] {strides = array<i32>} : memref<128x128xf32, #tpu.memory_space<vmem>>, vector<1x16xf32>,
        %swap3A_237 = vector.shape_cast %swap3A_236 : vector<1x16xf32> to vector<16xf32>
        %swap3A_238 = vector.shape_cast %mul3A_233 : vector<16xf32> to vector<1x16xf32>
        tpu.vector_store %arg6[%swap3A_234, %swap3A_235], %swap3A_238 {strides = array<i32>} : memref<128x128xf32, #tpu.memory_space<vmem>>, vector<1x16xf32>,
        %get3A_239 = arith.index_cast %scan3A_203 : i32 to index
        %get3A_240 = arith.constant 48 : index
        %get3A_241 = tpu.vector_load %arg6[%get3A_239, %get3A_240] {strides = array<i32>} : memref<128x128xf32, #tpu.memory_space<vmem>>, vector<1x16xf32>,
        %get3A_242 = vector.shape_cast %get3A_241 : vector<1x16xf32> to vector<16xf32>
        %mul3A_243 = arith.constant 11.3137083 : f32
        %mul3A_244 = vector.broadcast %mul3A_243 : f32 to vector<16xf32>
        %mul3A_245 = arith.mulf %get3A_242, %mul3A_244 : vector<16xf32>
        %swap3A_246 = arith.index_cast %scan3A_203 : i32 to index
        %swap3A_247 = arith.constant 48 : index
        %swap3A_248 = tpu.vector_load %arg6[%swap3A_246, %swap3A_247] {strides = array<i32>} : memref<128x128xf32, #tpu.memory_space<vmem>>, vector<1x16xf32>,
        %swap3A_249 = vector.shape_cast %swap3A_248 : vector<1x16xf32> to vector<16xf32>
        %swap3A_250 = vector.shape_cast %mul3A_245 : vector<16xf32> to vector<1x16xf32>
        tpu.vector_store %arg6[%swap3A_246, %swap3A_247], %swap3A_250 {strides = array<i32>} : memref<128x128xf32, #tpu.memory_space<vmem>>, vector<1x16xf32>,
        %get3A_251 = arith.index_cast %scan3A_203 : i32 to index
        %get3A_252 = arith.constant 64 : index
        %get3A_253 = tpu.vector_load %arg6[%get3A_251, %get3A_252] {strides = array<i32>} : memref<128x128xf32, #tpu.memory_space<vmem>>, vector<1x16xf32>,
        %get3A_254 = vector.shape_cast %get3A_253 : vector<1x16xf32> to vector<16xf32>
        %mul3A_255 = arith.constant 11.3137083 : f32
        %mul3A_256 = vector.broadcast %mul3A_255 : f32 to vector<16xf32>
        %mul3A_257 = arith.mulf %get3A_254, %mul3A_256 : vector<16xf32>
        %swap3A_258 = arith.index_cast %scan3A_203 : i32 to index
        %swap3A_259 = arith.constant 64 : index
        %swap3A_260 = tpu.vector_load %arg6[%swap3A_258, %swap3A_259] {strides = array<i32>} : memref<128x128xf32, #tpu.memory_space<vmem>>, vector<1x16xf32>,
        %swap3A_261 = vector.shape_cast %swap3A_260 : vector<1x16xf32> to vector<16xf32>
        %swap3A_262 = vector.shape_cast %mul3A_257 : vector<16xf32> to vector<1x16xf32>
        tpu.vector_store %arg6[%swap3A_258, %swap3A_259], %swap3A_262 {strides = array<i32>} : memref<128x128xf32, #tpu.memory_space<vmem>>, vector<1x16xf32>,
        %get3A_263 = arith.index_cast %scan3A_203 : i32 to index
        %get3A_264 = arith.constant 80 : index
        %get3A_265 = tpu.vector_load %arg6[%get3A_263, %get3A_264] {strides = array<i32>} : memref<128x128xf32, #tpu.memory_space<vmem>>, vector<1x16xf32>,
        %get3A_266 = vector.shape_cast %get3A_265 : vector<1x16xf32> to vector<16xf32>
        %mul3A_267 = arith.constant 11.3137083 : f32
        %mul3A_268 = vector.broadcast %mul3A_267 : f32 to vector<16xf32>
        %mul3A_269 = arith.mulf %get3A_266, %mul3A_268 : vector<16xf32>
        %swap3A_270 = arith.index_cast %scan3A_203 : i32 to index
        %swap3A_271 = arith.constant 80 : index
        %swap3A_272 = tpu.vector_load %arg6[%swap3A_270, %swap3A_271] {strides = array<i32>} : memref<128x128xf32, #tpu.memory_space<vmem>>, vector<1x16xf32>,
        %swap3A_273 = vector.shape_cast %swap3A_272 : vector<1x16xf32> to vector<16xf32>
        %swap3A_274 = vector.shape_cast %mul3A_269 : vector<16xf32> to vector<1x16xf32>
        tpu.vector_store %arg6[%swap3A_270, %swap3A_271], %swap3A_274 {strides = array<i32>} : memref<128x128xf32, #tpu.memory_space<vmem>>, vector<1x16xf32>,
        %get3A_275 = arith.index_cast %scan3A_203 : i32 to index
        %get3A_276 = arith.constant 96 : index
        %get3A_277 = tpu.vector_load %arg6[%get3A_275, %get3A_276] {strides = array<i32>} : memref<128x128xf32, #tpu.memory_space<vmem>>, vector<1x16xf32>,
        %get3A_278 = vector.shape_cast %get3A_277 : vector<1x16xf32> to vector<16xf32>
        %mul3A_279 = arith.constant 11.3137083 : f32
        %mul3A_280 = vector.broadcast %mul3A_279 : f32 to vector<16xf32>
        %mul3A_281 = arith.mulf %get3A_278, %mul3A_280 : vector<16xf32>
        %swap3A_282 = arith.index_cast %scan3A_203 : i32 to index
        %swap3A_283 = arith.constant 96 : index
        %swap3A_284 = tpu.vector_load %arg6[%swap3A_282, %swap3A_283] {strides = array<i32>} : memref<128x128xf32, #tpu.memory_space<vmem>>, vector<1x16xf32>,
        %swap3A_285 = vector.shape_cast %swap3A_284 : vector<1x16xf32> to vector<16xf32>
        %swap3A_286 = vector.shape_cast %mul3A_281 : vector<16xf32> to vector<1x16xf32>
        tpu.vector_store %arg6[%swap3A_282, %swap3A_283], %swap3A_286 {strides = array<i32>} : memref<128x128xf32, #tpu.memory_space<vmem>>, vector<1x16xf32>,
        %get3A_287 = arith.index_cast %scan3A_203 : i32 to index
        %get3A_288 = arith.constant 112 : index
        %get3A_289 = tpu.vector_load %arg6[%get3A_287, %get3A_288] {strides = array<i32>} : memref<128x128xf32, #tpu.memory_space<vmem>>, vector<1x16xf32>,
        %get3A_290 = vector.shape_cast %get3A_289 : vector<1x16xf32> to vector<16xf32>
        %mul3A_291 = arith.constant 11.3137083 : f32
        %mul3A_292 = vector.broadcast %mul3A_291 : f32 to vector<16xf32>
        %mul3A_293 = arith.mulf %get3A_290, %mul3A_292 : vector<16xf32>
        %swap3A_294 = arith.index_cast %scan3A_203 : i32 to index
        %swap3A_295 = arith.constant 112 : index
        %swap3A_296 = tpu.vector_load %arg6[%swap3A_294, %swap3A_295] {strides = array<i32>} : memref<128x128xf32, #tpu.memory_space<vmem>>, vector<1x16xf32>,
        %swap3A_297 = vector.shape_cast %swap3A_296 : vector<1x16xf32> to vector<16xf32>
        %swap3A_298 = vector.shape_cast %mul3A_293 : vector<16xf32> to vector<1x16xf32>
        tpu.vector_store %arg6[%swap3A_294, %swap3A_295], %swap3A_298 {strides = array<i32>} : memref<128x128xf32, #tpu.memory_space<vmem>>, vector<1x16xf32>,
        %scan3A_299 = arith.constant 0 : i32
        scf.yield %scan3A_299 : i32
      }
      %scan3A_71 = arith.constant 128 : i32
      %mul3A_72 = arith.constant 128 : i32
      %mul3A_73 = arith.muli %add3A_48, %mul3A_72 : i32
      %add3A_74 = arith.addi %mul3A_2, %mul3A_73 : i32
      %dma_start3A_75 = arith.constant 0 : i32
      %dma_start3A_76 = tpu.memref_slice %arg4[%add3A_74, %dma_start3A_75] : memref<819200x128xf32, #tpu.memory_space<hbm>> -> memref<128x128xf32, #tpu.memory_space<hbm>>
      %dma_start3A_77 = arith.constant 0 : i32
      %dma_start3A_78 = tpu.memref_slice %arg4[%add3A_74, %dma_start3A_77] : memref<819200x128xf32, #tpu.memory_space<hbm>> -> memref<128x128xf32, #tpu.memory_space<hbm>>
      tpu.enqueue_dma source(%arg6 : memref<128x128xf32, #tpu.memory_space<vmem>>) target(%dma_start3A_78 : memref<128x128xf32, #tpu.memory_space<hbm>>) target_semaphore(%arg16 : memref<!tpu.dma_semaphore, #tpu.memory_space<semaphore_mem>>)
      %add3A_79 = arith.constant 1 : i32
      %add3A_80 = arith.addi %mul3A_46, %add3A_79 : i32
      %gt3A_81 = arith.constant 0 : i32
      %gt3A_82 = arith.cmpi sgt, %mul3A_46, %gt3A_81 : i32
      %convert_element_type3A_83 = arith.extui %gt3A_82 : i1 to i32
      %cond3A_84 = arith.constant 0 : i32
      %cond3A_85 = arith.cmpi ne, %convert_element_type3A_83, %cond3A_84 : i32
      scf.if %cond3A_85 {
        %dma_wait3A_203 = arith.constant 0 : i32
        %dma_wait3A_204 = tpu.memref_slice %arg4[%mul3A_2, %dma_wait3A_203] : memref<819200x128xf32, #tpu.memory_space<hbm>> -> memref<128x128xf32, #tpu.memory_space<hbm>>
        %dma_wait3A_205 = arith.constant 0 : i32
        %dma_wait3A_206 = tpu.memref_slice %arg4[%mul3A_2, %dma_wait3A_205] : memref<819200x128xf32, #tpu.memory_space<hbm>> -> memref<128x128xf32, #tpu.memory_space<hbm>>
        tpu.wait_dma2 semaphore(%arg19 : memref<!tpu.dma_semaphore, #tpu.memory_space<semaphore_mem>>) src(%arg9 : memref<128x128xf32, #tpu.memory_space<vmem>>) dst(%dma_wait3A_206 : memref<128x128xf32, #tpu.memory_space<hbm>>)
      } else {
      }
      %add3A_86 = arith.constant 2 : i32
      %add3A_87 = arith.addi %add3A_80, %add3A_86 : i32
      %dma_start3A_88 = arith.constant 0 : i32
      %dma_start3A_89 = tpu.memref_slice %arg5[%add3A_87, %dma_start3A_88] : memref<200x128xi32, #tpu.memory_space<vmem>> -> memref<1x128xi32, #tpu.memory_space<vmem>>
      %dma_start3A_90 = tpu.memref_squeeze %dma_start3A_89 : memref<1x128xi32, #tpu.memory_space<vmem>> -> memref<128xi32, #tpu.memory_space<vmem>>
      %dma_start3A_91 = arith.constant 0 : i32
      %dma_start3A_92 = arith.constant 0 : i32
      %dma_start3A_93 = tpu.memref_slice %arg3[%dma_start3A_91, %dma_start3A_92] : memref<1000000x128xf32, #tpu.memory_space<hbm>> -> memref<1000000x128xf32, #tpu.memory_space<hbm>>
      tpu.enqueue_indirect_dma source(%dma_start3A_93 : memref<1000000x128xf32, #tpu.memory_space<hbm>>) target(%arg9 : memref<128x128xf32, #tpu.memory_space<vmem>>) offsets(%dma_start3A_90 : memref<128xi32, #tpu.memory_space<vmem>>) semaphore(%arg14 : memref<!tpu.dma_semaphore, #tpu.memory_space<semaphore_mem>>)
      %dma_wait3A_94 = arith.constant 0 : i32
      %dma_wait3A_95 = arith.constant 0 : i32
      %dma_wait3A_96 = tpu.memref_slice %arg3[%dma_wait3A_94, %dma_wait3A_95] : memref<1000000x128xf32, #tpu.memory_space<hbm>> -> memref<128x128xf32, #tpu.memory_space<hbm>>
      %dma_wait3A_97 = arith.constant 0 : i32
      %dma_wait3A_98 = arith.constant 0 : i32
      %dma_wait3A_99 = tpu.memref_slice %arg3[%dma_wait3A_97, %dma_wait3A_98] : memref<1000000x128xf32, #tpu.memory_space<hbm>> -> memref<128x128xf32, #tpu.memory_space<hbm>>
      tpu.wait_dma2 semaphore(%arg12 : memref<!tpu.dma_semaphore, #tpu.memory_space<semaphore_mem>>) src(%dma_wait3A_99 : memref<128x128xf32, #tpu.memory_space<hbm>>) dst(%arg7 : memref<128x128xf32, #tpu.memory_space<vmem>>)
      %scan3A_100 = arith.constant 0 : i32
      %scan3A_101 = arith.constant 0 : i32
      %scan3A_102 = arith.constant 128 : i32
      %scan3A_103 = arith.addi %scan3A_101, %scan3A_102 : i32
      %scan3A_104 = arith.constant 1 : i32
      %scan3A_105 = scf.for %scan3A_203 = %scan3A_101 to %scan3A_103 step %scan3A_104 iter_args(%scan3A_204 = %scan3A_100) -> (i32)  : i32 {
        %get3A = arith.index_cast %scan3A_203 : i32 to index
        %get3A_205 = arith.constant 0 : index
        %get3A_206 = tpu.vector_load %arg7[%get3A, %get3A_205] {strides = array<i32>} : memref<128x128xf32, #tpu.memory_space<vmem>>, vector<1x16xf32>,
        %get3A_207 = vector.shape_cast %get3A_206 : vector<1x16xf32> to vector<16xf32>
        %mul3A_208 = arith.constant 11.3137083 : f32
        %mul3A_209 = vector.broadcast %mul3A_208 : f32 to vector<16xf32>
        %mul3A_210 = arith.mulf %get3A_207, %mul3A_209 : vector<16xf32>
        %swap3A = arith.index_cast %scan3A_203 : i32 to index
        %swap3A_211 = arith.constant 0 : index
        %swap3A_212 = tpu.vector_load %arg7[%swap3A, %swap3A_211] {strides = array<i32>} : memref<128x128xf32, #tpu.memory_space<vmem>>, vector<1x16xf32>,
        %swap3A_213 = vector.shape_cast %swap3A_212 : vector<1x16xf32> to vector<16xf32>
        %swap3A_214 = vector.shape_cast %mul3A_210 : vector<16xf32> to vector<1x16xf32>
        tpu.vector_store %arg7[%swap3A, %swap3A_211], %swap3A_214 {strides = array<i32>} : memref<128x128xf32, #tpu.memory_space<vmem>>, vector<1x16xf32>,
        %get3A_215 = arith.index_cast %scan3A_203 : i32 to index
        %get3A_216 = arith.constant 16 : index
        %get3A_217 = tpu.vector_load %arg7[%get3A_215, %get3A_216] {strides = array<i32>} : memref<128x128xf32, #tpu.memory_space<vmem>>, vector<1x16xf32>,
        %get3A_218 = vector.shape_cast %get3A_217 : vector<1x16xf32> to vector<16xf32>
        %mul3A_219 = arith.constant 11.3137083 : f32
        %mul3A_220 = vector.broadcast %mul3A_219 : f32 to vector<16xf32>
        %mul3A_221 = arith.mulf %get3A_218, %mul3A_220 : vector<16xf32>
        %swap3A_222 = arith.index_cast %scan3A_203 : i32 to index
        %swap3A_223 = arith.constant 16 : index
        %swap3A_224 = tpu.vector_load %arg7[%swap3A_222, %swap3A_223] {strides = array<i32>} : memref<128x128xf32, #tpu.memory_space<vmem>>, vector<1x16xf32>,
        %swap3A_225 = vector.shape_cast %swap3A_224 : vector<1x16xf32> to vector<16xf32>
        %swap3A_226 = vector.shape_cast %mul3A_221 : vector<16xf32> to vector<1x16xf32>
        tpu.vector_store %arg7[%swap3A_222, %swap3A_223], %swap3A_226 {strides = array<i32>} : memref<128x128xf32, #tpu.memory_space<vmem>>, vector<1x16xf32>,
        %get3A_227 = arith.index_cast %scan3A_203 : i32 to index
        %get3A_228 = arith.constant 32 : index
        %get3A_229 = tpu.vector_load %arg7[%get3A_227, %get3A_228] {strides = array<i32>} : memref<128x128xf32, #tpu.memory_space<vmem>>, vector<1x16xf32>,
        %get3A_230 = vector.shape_cast %get3A_229 : vector<1x16xf32> to vector<16xf32>
        %mul3A_231 = arith.constant 11.3137083 : f32
        %mul3A_232 = vector.broadcast %mul3A_231 : f32 to vector<16xf32>
        %mul3A_233 = arith.mulf %get3A_230, %mul3A_232 : vector<16xf32>
        %swap3A_234 = arith.index_cast %scan3A_203 : i32 to index
        %swap3A_235 = arith.constant 32 : index
        %swap3A_236 = tpu.vector_load %arg7[%swap3A_234, %swap3A_235] {strides = array<i32>} : memref<128x128xf32, #tpu.memory_space<vmem>>, vector<1x16xf32>,
        %swap3A_237 = vector.shape_cast %swap3A_236 : vector<1x16xf32> to vector<16xf32>
        %swap3A_238 = vector.shape_cast %mul3A_233 : vector<16xf32> to vector<1x16xf32>
        tpu.vector_store %arg7[%swap3A_234, %swap3A_235], %swap3A_238 {strides = array<i32>} : memref<128x128xf32, #tpu.memory_space<vmem>>, vector<1x16xf32>,
        %get3A_239 = arith.index_cast %scan3A_203 : i32 to index
        %get3A_240 = arith.constant 48 : index
        %get3A_241 = tpu.vector_load %arg7[%get3A_239, %get3A_240] {strides = array<i32>} : memref<128x128xf32, #tpu.memory_space<vmem>>, vector<1x16xf32>,
        %get3A_242 = vector.shape_cast %get3A_241 : vector<1x16xf32> to vector<16xf32>
        %mul3A_243 = arith.constant 11.3137083 : f32
        %mul3A_244 = vector.broadcast %mul3A_243 : f32 to vector<16xf32>
        %mul3A_245 = arith.mulf %get3A_242, %mul3A_244 : vector<16xf32>
        %swap3A_246 = arith.index_cast %scan3A_203 : i32 to index
        %swap3A_247 = arith.constant 48 : index
        %swap3A_248 = tpu.vector_load %arg7[%swap3A_246, %swap3A_247] {strides = array<i32>} : memref<128x128xf32, #tpu.memory_space<vmem>>, vector<1x16xf32>,
        %swap3A_249 = vector.shape_cast %swap3A_248 : vector<1x16xf32> to vector<16xf32>
        %swap3A_250 = vector.shape_cast %mul3A_245 : vector<16xf32> to vector<1x16xf32>
        tpu.vector_store %arg7[%swap3A_246, %swap3A_247], %swap3A_250 {strides = array<i32>} : memref<128x128xf32, #tpu.memory_space<vmem>>, vector<1x16xf32>,
        %get3A_251 = arith.index_cast %scan3A_203 : i32 to index
        %get3A_252 = arith.constant 64 : index
        %get3A_253 = tpu.vector_load %arg7[%get3A_251, %get3A_252] {strides = array<i32>} : memref<128x128xf32, #tpu.memory_space<vmem>>, vector<1x16xf32>,
        %get3A_254 = vector.shape_cast %get3A_253 : vector<1x16xf32> to vector<16xf32>
        %mul3A_255 = arith.constant 11.3137083 : f32
        %mul3A_256 = vector.broadcast %mul3A_255 : f32 to vector<16xf32>
        %mul3A_257 = arith.mulf %get3A_254, %mul3A_256 : vector<16xf32>
        %swap3A_258 = arith.index_cast %scan3A_203 : i32 to index
        %swap3A_259 = arith.constant 64 : index
        %swap3A_260 = tpu.vector_load %arg7[%swap3A_258, %swap3A_259] {strides = array<i32>} : memref<128x128xf32, #tpu.memory_space<vmem>>, vector<1x16xf32>,
        %swap3A_261 = vector.shape_cast %swap3A_260 : vector<1x16xf32> to vector<16xf32>
        %swap3A_262 = vector.shape_cast %mul3A_257 : vector<16xf32> to vector<1x16xf32>
        tpu.vector_store %arg7[%swap3A_258, %swap3A_259], %swap3A_262 {strides = array<i32>} : memref<128x128xf32, #tpu.memory_space<vmem>>, vector<1x16xf32>,
        %get3A_263 = arith.index_cast %scan3A_203 : i32 to index
        %get3A_264 = arith.constant 80 : index
        %get3A_265 = tpu.vector_load %arg7[%get3A_263, %get3A_264] {strides = array<i32>} : memref<128x128xf32, #tpu.memory_space<vmem>>, vector<1x16xf32>,
        %get3A_266 = vector.shape_cast %get3A_265 : vector<1x16xf32> to vector<16xf32>
        %mul3A_267 = arith.constant 11.3137083 : f32
        %mul3A_268 = vector.broadcast %mul3A_267 : f32 to vector<16xf32>
        %mul3A_269 = arith.mulf %get3A_266, %mul3A_268 : vector<16xf32>
        %swap3A_270 = arith.index_cast %scan3A_203 : i32 to index
        %swap3A_271 = arith.constant 80 : index
        %swap3A_272 = tpu.vector_load %arg7[%swap3A_270, %swap3A_271] {strides = array<i32>} : memref<128x128xf32, #tpu.memory_space<vmem>>, vector<1x16xf32>,
        %swap3A_273 = vector.shape_cast %swap3A_272 : vector<1x16xf32> to vector<16xf32>
        %swap3A_274 = vector.shape_cast %mul3A_269 : vector<16xf32> to vector<1x16xf32>
        tpu.vector_store %arg7[%swap3A_270, %swap3A_271], %swap3A_274 {strides = array<i32>} : memref<128x128xf32, #tpu.memory_space<vmem>>, vector<1x16xf32>,
        %get3A_275 = arith.index_cast %scan3A_203 : i32 to index
        %get3A_276 = arith.constant 96 : index
        %get3A_277 = tpu.vector_load %arg7[%get3A_275, %get3A_276] {strides = array<i32>} : memref<128x128xf32, #tpu.memory_space<vmem>>, vector<1x16xf32>,
        %get3A_278 = vector.shape_cast %get3A_277 : vector<1x16xf32> to vector<16xf32>
        %mul3A_279 = arith.constant 11.3137083 : f32
        %mul3A_280 = vector.broadcast %mul3A_279 : f32 to vector<16xf32>
        %mul3A_281 = arith.mulf %get3A_278, %mul3A_280 : vector<16xf32>
        %swap3A_282 = arith.index_cast %scan3A_203 : i32 to index
        %swap3A_283 = arith.constant 96 : index
        %swap3A_284 = tpu.vector_load %arg7[%swap3A_282, %swap3A_283] {strides = array<i32>} : memref<128x128xf32, #tpu.memory_space<vmem>>, vector<1x16xf32>,
        %swap3A_285 = vector.shape_cast %swap3A_284 : vector<1x16xf32> to vector<16xf32>
        %swap3A_286 = vector.shape_cast %mul3A_281 : vector<16xf32> to vector<1x16xf32>
        tpu.vector_store %arg7[%swap3A_282, %swap3A_283], %swap3A_286 {strides = array<i32>} : memref<128x128xf32, #tpu.memory_space<vmem>>, vector<1x16xf32>,
        %get3A_287 = arith.index_cast %scan3A_203 : i32 to index
        %get3A_288 = arith.constant 112 : index
        %get3A_289 = tpu.vector_load %arg7[%get3A_287, %get3A_288] {strides = array<i32>} : memref<128x128xf32, #tpu.memory_space<vmem>>, vector<1x16xf32>,
        %get3A_290 = vector.shape_cast %get3A_289 : vector<1x16xf32> to vector<16xf32>
        %mul3A_291 = arith.constant 11.3137083 : f32
        %mul3A_292 = vector.broadcast %mul3A_291 : f32 to vector<16xf32>
        %mul3A_293 = arith.mulf %get3A_290, %mul3A_292 : vector<16xf32>
        %swap3A_294 = arith.index_cast %scan3A_203 : i32 to index
        %swap3A_295 = arith.constant 112 : index
        %swap3A_296 = tpu.vector_load %arg7[%swap3A_294, %swap3A_295] {strides = array<i32>} : memref<128x128xf32, #tpu.memory_space<vmem>>, vector<1x16xf32>,
        %swap3A_297 = vector.shape_cast %swap3A_296 : vector<1x16xf32> to vector<16xf32>
        %swap3A_298 = vector.shape_cast %mul3A_293 : vector<16xf32> to vector<1x16xf32>
        tpu.vector_store %arg7[%swap3A_294, %swap3A_295], %swap3A_298 {strides = array<i32>} : memref<128x128xf32, #tpu.memory_space<vmem>>, vector<1x16xf32>,
        %scan3A_299 = arith.constant 0 : i32
        scf.yield %scan3A_299 : i32
      }
      %scan3A_106 = arith.constant 128 : i32
      %mul3A_107 = arith.constant 128 : i32
      %mul3A_108 = arith.muli %add3A_80, %mul3A_107 : i32
      %add3A_109 = arith.addi %mul3A_2, %mul3A_108 : i32
      %dma_start3A_110 = arith.constant 0 : i32
      %dma_start3A_111 = tpu.memref_slice %arg4[%add3A_109, %dma_start3A_110] : memref<819200x128xf32, #tpu.memory_space<hbm>> -> memref<128x128xf32, #tpu.memory_space<hbm>>
      %dma_start3A_112 = arith.constant 0 : i32
      %dma_start3A_113 = tpu.memref_slice %arg4[%add3A_109, %dma_start3A_112] : memref<819200x128xf32, #tpu.memory_space<hbm>> -> memref<128x128xf32, #tpu.memory_space<hbm>>
      tpu.enqueue_dma source(%arg7 : memref<128x128xf32, #tpu.memory_space<vmem>>) target(%dma_start3A_113 : memref<128x128xf32, #tpu.memory_space<hbm>>) target_semaphore(%arg17 : memref<!tpu.dma_semaphore, #tpu.memory_space<semaphore_mem>>)
      %add3A_114 = arith.constant 2 : i32
      %add3A_115 = arith.addi %mul3A_46, %add3A_114 : i32
      %gt3A_116 = arith.constant 0 : i32
      %gt3A_117 = arith.cmpi sgt, %mul3A_46, %gt3A_116 : i32
      %convert_element_type3A_118 = arith.extui %gt3A_117 : i1 to i32
      %cond3A_119 = arith.constant 0 : i32
      %cond3A_120 = arith.cmpi ne, %convert_element_type3A_118, %cond3A_119 : i32
      scf.if %cond3A_120 {
        %dma_wait3A_203 = arith.constant 0 : i32
        %dma_wait3A_204 = tpu.memref_slice %arg4[%mul3A_2, %dma_wait3A_203] : memref<819200x128xf32, #tpu.memory_space<hbm>> -> memref<128x128xf32, #tpu.memory_space<hbm>>
        %dma_wait3A_205 = arith.constant 0 : i32
        %dma_wait3A_206 = tpu.memref_slice %arg4[%mul3A_2, %dma_wait3A_205] : memref<819200x128xf32, #tpu.memory_space<hbm>> -> memref<128x128xf32, #tpu.memory_space<hbm>>
        tpu.wait_dma2 semaphore(%arg20 : memref<!tpu.dma_semaphore, #tpu.memory_space<semaphore_mem>>) src(%arg10 : memref<128x128xf32, #tpu.memory_space<vmem>>) dst(%dma_wait3A_206 : memref<128x128xf32, #tpu.memory_space<hbm>>)
      } else {
      }
      %add3A_121 = arith.constant 2 : i32
      %add3A_122 = arith.addi %add3A_115, %add3A_121 : i32
      %dma_start3A_123 = arith.constant 0 : i32
      %dma_start3A_124 = tpu.memref_slice %arg5[%add3A_122, %dma_start3A_123] : memref<200x128xi32, #tpu.memory_space<vmem>> -> memref<1x128xi32, #tpu.memory_space<vmem>>
      %dma_start3A_125 = tpu.memref_squeeze %dma_start3A_124 : memref<1x128xi32, #tpu.memory_space<vmem>> -> memref<128xi32, #tpu.memory_space<vmem>>
      %dma_start3A_126 = arith.constant 0 : i32
      %dma_start3A_127 = arith.constant 0 : i32
      %dma_start3A_128 = tpu.memref_slice %arg3[%dma_start3A_126, %dma_start3A_127] : memref<1000000x128xf32, #tpu.memory_space<hbm>> -> memref<1000000x128xf32, #tpu.memory_space<hbm>>
      tpu.enqueue_indirect_dma source(%dma_start3A_128 : memref<1000000x128xf32, #tpu.memory_space<hbm>>) target(%arg10 : memref<128x128xf32, #tpu.memory_space<vmem>>) offsets(%dma_start3A_125 : memref<128xi32, #tpu.memory_space<vmem>>) semaphore(%arg15 : memref<!tpu.dma_semaphore, #tpu.memory_space<semaphore_mem>>)
      %dma_wait3A_129 = arith.constant 0 : i32
      %dma_wait3A_130 = arith.constant 0 : i32
      %dma_wait3A_131 = tpu.memref_slice %arg3[%dma_wait3A_129, %dma_wait3A_130] : memref<1000000x128xf32, #tpu.memory_space<hbm>> -> memref<128x128xf32, #tpu.memory_space<hbm>>
      %dma_wait3A_132 = arith.constant 0 : i32
      %dma_wait3A_133 = arith.constant 0 : i32
      %dma_wait3A_134 = tpu.memref_slice %arg3[%dma_wait3A_132, %dma_wait3A_133] : memref<1000000x128xf32, #tpu.memory_space<hbm>> -> memref<128x128xf32, #tpu.memory_space<hbm>>
      tpu.wait_dma2 semaphore(%arg13 : memref<!tpu.dma_semaphore, #tpu.memory_space<semaphore_mem>>) src(%dma_wait3A_134 : memref<128x128xf32, #tpu.memory_space<hbm>>) dst(%arg8 : memref<128x128xf32, #tpu.memory_space<vmem>>)
      %scan3A_135 = arith.constant 0 : i32
      %scan3A_136 = arith.constant 0 : i32
      %scan3A_137 = arith.constant 128 : i32
      %scan3A_138 = arith.addi %scan3A_136, %scan3A_137 : i32
      %scan3A_139 = arith.constant 1 : i32
      %scan3A_140 = scf.for %scan3A_203 = %scan3A_136 to %scan3A_138 step %scan3A_139 iter_args(%scan3A_204 = %scan3A_135) -> (i32)  : i32 {
        %get3A = arith.index_cast %scan3A_203 : i32 to index
        %get3A_205 = arith.constant 0 : index
        %get3A_206 = tpu.vector_load %arg8[%get3A, %get3A_205] {strides = array<i32>} : memref<128x128xf32, #tpu.memory_space<vmem>>, vector<1x16xf32>,
        %get3A_207 = vector.shape_cast %get3A_206 : vector<1x16xf32> to vector<16xf32>
        %mul3A_208 = arith.constant 11.3137083 : f32
        %mul3A_209 = vector.broadcast %mul3A_208 : f32 to vector<16xf32>
        %mul3A_210 = arith.mulf %get3A_207, %mul3A_209 : vector<16xf32>
        %swap3A = arith.index_cast %scan3A_203 : i32 to index
        %swap3A_211 = arith.constant 0 : index
        %swap3A_212 = tpu.vector_load %arg8[%swap3A, %swap3A_211] {strides = array<i32>} : memref<128x128xf32, #tpu.memory_space<vmem>>, vector<1x16xf32>,
        %swap3A_213 = vector.shape_cast %swap3A_212 : vector<1x16xf32> to vector<16xf32>
        %swap3A_214 = vector.shape_cast %mul3A_210 : vector<16xf32> to vector<1x16xf32>
        tpu.vector_store %arg8[%swap3A, %swap3A_211], %swap3A_214 {strides = array<i32>} : memref<128x128xf32, #tpu.memory_space<vmem>>, vector<1x16xf32>,
        %get3A_215 = arith.index_cast %scan3A_203 : i32 to index
        %get3A_216 = arith.constant 16 : index
        %get3A_217 = tpu.vector_load %arg8[%get3A_215, %get3A_216] {strides = array<i32>} : memref<128x128xf32, #tpu.memory_space<vmem>>, vector<1x16xf32>,
        %get3A_218 = vector.shape_cast %get3A_217 : vector<1x16xf32> to vector<16xf32>
        %mul3A_219 = arith.constant 11.3137083 : f32
        %mul3A_220 = vector.broadcast %mul3A_219 : f32 to vector<16xf32>
        %mul3A_221 = arith.mulf %get3A_218, %mul3A_220 : vector<16xf32>
        %swap3A_222 = arith.index_cast %scan3A_203 : i32 to index
        %swap3A_223 = arith.constant 16 : index
        %swap3A_224 = tpu.vector_load %arg8[%swap3A_222, %swap3A_223] {strides = array<i32>} : memref<128x128xf32, #tpu.memory_space<vmem>>, vector<1x16xf32>,
        %swap3A_225 = vector.shape_cast %swap3A_224 : vector<1x16xf32> to vector<16xf32>
        %swap3A_226 = vector.shape_cast %mul3A_221 : vector<16xf32> to vector<1x16xf32>
        tpu.vector_store %arg8[%swap3A_222, %swap3A_223], %swap3A_226 {strides = array<i32>} : memref<128x128xf32, #tpu.memory_space<vmem>>, vector<1x16xf32>,
        %get3A_227 = arith.index_cast %scan3A_203 : i32 to index
        %get3A_228 = arith.constant 32 : index
        %get3A_229 = tpu.vector_load %arg8[%get3A_227, %get3A_228] {strides = array<i32>} : memref<128x128xf32, #tpu.memory_space<vmem>>, vector<1x16xf32>,
        %get3A_230 = vector.shape_cast %get3A_229 : vector<1x16xf32> to vector<16xf32>
        %mul3A_231 = arith.constant 11.3137083 : f32
        %mul3A_232 = vector.broadcast %mul3A_231 : f32 to vector<16xf32>
        %mul3A_233 = arith.mulf %get3A_230, %mul3A_232 : vector<16xf32>
        %swap3A_234 = arith.index_cast %scan3A_203 : i32 to index
        %swap3A_235 = arith.constant 32 : index
        %swap3A_236 = tpu.vector_load %arg8[%swap3A_234, %swap3A_235] {strides = array<i32>} : memref<128x128xf32, #tpu.memory_space<vmem>>, vector<1x16xf32>,
        %swap3A_237 = vector.shape_cast %swap3A_236 : vector<1x16xf32> to vector<16xf32>
        %swap3A_238 = vector.shape_cast %mul3A_233 : vector<16xf32> to vector<1x16xf32>
        tpu.vector_store %arg8[%swap3A_234, %swap3A_235], %swap3A_238 {strides = array<i32>} : memref<128x128xf32, #tpu.memory_space<vmem>>, vector<1x16xf32>,
        %get3A_239 = arith.index_cast %scan3A_203 : i32 to index
        %get3A_240 = arith.constant 48 : index
        %get3A_241 = tpu.vector_load %arg8[%get3A_239, %get3A_240] {strides = array<i32>} : memref<128x128xf32, #tpu.memory_space<vmem>>, vector<1x16xf32>,
        %get3A_242 = vector.shape_cast %get3A_241 : vector<1x16xf32> to vector<16xf32>
        %mul3A_243 = arith.constant 11.3137083 : f32
        %mul3A_244 = vector.broadcast %mul3A_243 : f32 to vector<16xf32>
        %mul3A_245 = arith.mulf %get3A_242, %mul3A_244 : vector<16xf32>
        %swap3A_246 = arith.index_cast %scan3A_203 : i32 to index
        %swap3A_247 = arith.constant 48 : index
        %swap3A_248 = tpu.vector_load %arg8[%swap3A_246, %swap3A_247] {strides = array<i32>} : memref<128x128xf32, #tpu.memory_space<vmem>>, vector<1x16xf32>,
        %swap3A_249 = vector.shape_cast %swap3A_248 : vector<1x16xf32> to vector<16xf32>
        %swap3A_250 = vector.shape_cast %mul3A_245 : vector<16xf32> to vector<1x16xf32>
        tpu.vector_store %arg8[%swap3A_246, %swap3A_247], %swap3A_250 {strides = array<i32>} : memref<128x128xf32, #tpu.memory_space<vmem>>, vector<1x16xf32>,
        %get3A_251 = arith.index_cast %scan3A_203 : i32 to index
        %get3A_252 = arith.constant 64 : index
        %get3A_253 = tpu.vector_load %arg8[%get3A_251, %get3A_252] {strides = array<i32>} : memref<128x128xf32, #tpu.memory_space<vmem>>, vector<1x16xf32>,
        %get3A_254 = vector.shape_cast %get3A_253 : vector<1x16xf32> to vector<16xf32>
        %mul3A_255 = arith.constant 11.3137083 : f32
        %mul3A_256 = vector.broadcast %mul3A_255 : f32 to vector<16xf32>
        %mul3A_257 = arith.mulf %get3A_254, %mul3A_256 : vector<16xf32>
        %swap3A_258 = arith.index_cast %scan3A_203 : i32 to index
        %swap3A_259 = arith.constant 64 : index
        %swap3A_260 = tpu.vector_load %arg8[%swap3A_258, %swap3A_259] {strides = array<i32>} : memref<128x128xf32, #tpu.memory_space<vmem>>, vector<1x16xf32>,
        %swap3A_261 = vector.shape_cast %swap3A_260 : vector<1x16xf32> to vector<16xf32>
        %swap3A_262 = vector.shape_cast %mul3A_257 : vector<16xf32> to vector<1x16xf32>
        tpu.vector_store %arg8[%swap3A_258, %swap3A_259], %swap3A_262 {strides = array<i32>} : memref<128x128xf32, #tpu.memory_space<vmem>>, vector<1x16xf32>,
        %get3A_263 = arith.index_cast %scan3A_203 : i32 to index
        %get3A_264 = arith.constant 80 : index
        %get3A_265 = tpu.vector_load %arg8[%get3A_263, %get3A_264] {strides = array<i32>} : memref<128x128xf32, #tpu.memory_space<vmem>>, vector<1x16xf32>,
        %get3A_266 = vector.shape_cast %get3A_265 : vector<1x16xf32> to vector<16xf32>
        %mul3A_267 = arith.constant 11.3137083 : f32
        %mul3A_268 = vector.broadcast %mul3A_267 : f32 to vector<16xf32>
        %mul3A_269 = arith.mulf %get3A_266, %mul3A_268 : vector<16xf32>
        %swap3A_270 = arith.index_cast %scan3A_203 : i32 to index
        %swap3A_271 = arith.constant 80 : index
        %swap3A_272 = tpu.vector_load %arg8[%swap3A_270, %swap3A_271] {strides = array<i32>} : memref<128x128xf32, #tpu.memory_space<vmem>>, vector<1x16xf32>,
        %swap3A_273 = vector.shape_cast %swap3A_272 : vector<1x16xf32> to vector<16xf32>
        %swap3A_274 = vector.shape_cast %mul3A_269 : vector<16xf32> to vector<1x16xf32>
        tpu.vector_store %arg8[%swap3A_270, %swap3A_271], %swap3A_274 {strides = array<i32>} : memref<128x128xf32, #tpu.memory_space<vmem>>, vector<1x16xf32>,
        %get3A_275 = arith.index_cast %scan3A_203 : i32 to index
        %get3A_276 = arith.constant 96 : index
        %get3A_277 = tpu.vector_load %arg8[%get3A_275, %get3A_276] {strides = array<i32>} : memref<128x128xf32, #tpu.memory_space<vmem>>, vector<1x16xf32>,
        %get3A_278 = vector.shape_cast %get3A_277 : vector<1x16xf32> to vector<16xf32>
        %mul3A_279 = arith.constant 11.3137083 : f32
        %mul3A_280 = vector.broadcast %mul3A_279 : f32 to vector<16xf32>
        %mul3A_281 = arith.mulf %get3A_278, %mul3A_280 : vector<16xf32>
        %swap3A_282 = arith.index_cast %scan3A_203 : i32 to index
        %swap3A_283 = arith.constant 96 : index
        %swap3A_284 = tpu.vector_load %arg8[%swap3A_282, %swap3A_283] {strides = array<i32>} : memref<128x128xf32, #tpu.memory_space<vmem>>, vector<1x16xf32>,
        %swap3A_285 = vector.shape_cast %swap3A_284 : vector<1x16xf32> to vector<16xf32>
        %swap3A_286 = vector.shape_cast %mul3A_281 : vector<16xf32> to vector<1x16xf32>
        tpu.vector_store %arg8[%swap3A_282, %swap3A_283], %swap3A_286 {strides = array<i32>} : memref<128x128xf32, #tpu.memory_space<vmem>>, vector<1x16xf32>,
        %get3A_287 = arith.index_cast %scan3A_203 : i32 to index
        %get3A_288 = arith.constant 112 : index
        %get3A_289 = tpu.vector_load %arg8[%get3A_287, %get3A_288] {strides = array<i32>} : memref<128x128xf32, #tpu.memory_space<vmem>>, vector<1x16xf32>,
        %get3A_290 = vector.shape_cast %get3A_289 : vector<1x16xf32> to vector<16xf32>
        %mul3A_291 = arith.constant 11.3137083 : f32
        %mul3A_292 = vector.broadcast %mul3A_291 : f32 to vector<16xf32>
        %mul3A_293 = arith.mulf %get3A_290, %mul3A_292 : vector<16xf32>
        %swap3A_294 = arith.index_cast %scan3A_203 : i32 to index
        %swap3A_295 = arith.constant 112 : index
        %swap3A_296 = tpu.vector_load %arg8[%swap3A_294, %swap3A_295] {strides = array<i32>} : memref<128x128xf32, #tpu.memory_space<vmem>>, vector<1x16xf32>,
        %swap3A_297 = vector.shape_cast %swap3A_296 : vector<1x16xf32> to vector<16xf32>
        %swap3A_298 = vector.shape_cast %mul3A_293 : vector<16xf32> to vector<1x16xf32>
        tpu.vector_store %arg8[%swap3A_294, %swap3A_295], %swap3A_298 {strides = array<i32>} : memref<128x128xf32, #tpu.memory_space<vmem>>, vector<1x16xf32>,
        %scan3A_299 = arith.constant 0 : i32
        scf.yield %scan3A_299 : i32
      }
      %scan3A_141 = arith.constant 128 : i32
      %mul3A_142 = arith.constant 128 : i32
      %mul3A_143 = arith.muli %add3A_115, %mul3A_142 : i32
      %add3A_144 = arith.addi %mul3A_2, %mul3A_143 : i32
      %dma_start3A_145 = arith.constant 0 : i32
      %dma_start3A_146 = tpu.memref_slice %arg4[%add3A_144, %dma_start3A_145] : memref<819200x128xf32, #tpu.memory_space<hbm>> -> memref<128x128xf32, #tpu.memory_space<hbm>>
      %dma_start3A_147 = arith.constant 0 : i32
      %dma_start3A_148 = tpu.memref_slice %arg4[%add3A_144, %dma_start3A_147] : memref<819200x128xf32, #tpu.memory_space<hbm>> -> memref<128x128xf32, #tpu.memory_space<hbm>>
      tpu.enqueue_dma source(%arg8 : memref<128x128xf32, #tpu.memory_space<vmem>>) target(%dma_start3A_148 : memref<128x128xf32, #tpu.memory_space<hbm>>) target_semaphore(%arg18 : memref<!tpu.dma_semaphore, #tpu.memory_space<semaphore_mem>>)
      %add3A_149 = arith.constant 3 : i32
      %add3A_150 = arith.addi %mul3A_46, %add3A_149 : i32
      %lt3A = arith.constant 195 : i32
      %lt3A_151 = arith.cmpi slt, %mul3A_46, %lt3A : i32
      %convert_element_type3A_152 = arith.extui %lt3A_151 : i1 to i32
      %cond3A_153 = arith.constant 0 : i32
      %cond3A_154 = arith.cmpi ne, %convert_element_type3A_152, %cond3A_153 : i32
      scf.if %cond3A_154 {
        %dma_wait3A_203 = arith.constant 0 : i32
        %dma_wait3A_204 = tpu.memref_slice %arg4[%mul3A_2, %dma_wait3A_203] : memref<819200x128xf32, #tpu.memory_space<hbm>> -> memref<128x128xf32, #tpu.memory_space<hbm>>
        %dma_wait3A_205 = arith.constant 0 : i32
        %dma_wait3A_206 = tpu.memref_slice %arg4[%mul3A_2, %dma_wait3A_205] : memref<819200x128xf32, #tpu.memory_space<hbm>> -> memref<128x128xf32, #tpu.memory_space<hbm>>
        tpu.wait_dma2 semaphore(%arg16 : memref<!tpu.dma_semaphore, #tpu.memory_space<semaphore_mem>>) src(%arg6 : memref<128x128xf32, #tpu.memory_space<vmem>>) dst(%dma_wait3A_206 : memref<128x128xf32, #tpu.memory_space<hbm>>)
        %add3A_207 = arith.constant 2 : i32
        %add3A_208 = arith.addi %add3A_150, %add3A_207 : i32
        %dma_start3A_209 = arith.constant 0 : i32
        %dma_start3A_210 = tpu.memref_slice %arg5[%add3A_208, %dma_start3A_209] : memref<200x128xi32, #tpu.memory_space<vmem>> -> memref<1x128xi32, #tpu.memory_space<vmem>>
        %dma_start3A_211 = tpu.memref_squeeze %dma_start3A_210 : memref<1x128xi32, #tpu.memory_space<vmem>> -> memref<128xi32, #tpu.memory_space<vmem>>
        %dma_start3A_212 = arith.constant 0 : i32
        %dma_start3A_213 = arith.constant 0 : i32
        %dma_start3A_214 = tpu.memref_slice %arg3[%dma_start3A_212, %dma_start3A_213] : memref<1000000x128xf32, #tpu.memory_space<hbm>> -> memref<1000000x128xf32, #tpu.memory_space<hbm>>
        tpu.enqueue_indirect_dma source(%dma_start3A_214 : memref<1000000x128xf32, #tpu.memory_space<hbm>>) target(%arg6 : memref<128x128xf32, #tpu.memory_space<vmem>>) offsets(%dma_start3A_211 : memref<128xi32, #tpu.memory_space<vmem>>) semaphore(%arg11 : memref<!tpu.dma_semaphore, #tpu.memory_space<semaphore_mem>>)
      } else {
      }
      %dma_wait3A_155 = arith.constant 0 : i32
      %dma_wait3A_156 = arith.constant 0 : i32
      %dma_wait3A_157 = tpu.memref_slice %arg3[%dma_wait3A_155, %dma_wait3A_156] : memref<1000000x128xf32, #tpu.memory_space<hbm>> -> memref<128x128xf32, #tpu.memory_space<hbm>>
      %dma_wait3A_158 = arith.constant 0 : i32
      %dma_wait3A_159 = arith.constant 0 : i32
      %dma_wait3A_160 = tpu.memref_slice %arg3[%dma_wait3A_158, %dma_wait3A_159] : memref<1000000x128xf32, #tpu.memory_space<hbm>> -> memref<128x128xf32, #tpu.memory_space<hbm>>
      tpu.wait_dma2 semaphore(%arg14 : memref<!tpu.dma_semaphore, #tpu.memory_space<semaphore_mem>>) src(%dma_wait3A_160 : memref<128x128xf32, #tpu.memory_space<hbm>>) dst(%arg9 : memref<128x128xf32, #tpu.memory_space<vmem>>)
      %scan3A_161 = arith.constant 0 : i32
      %scan3A_162 = arith.constant 0 : i32
      %scan3A_163 = arith.constant 128 : i32
      %scan3A_164 = arith.addi %scan3A_162, %scan3A_163 : i32
      %scan3A_165 = arith.constant 1 : i32
      %scan3A_166 = scf.for %scan3A_203 = %scan3A_162 to %scan3A_164 step %scan3A_165 iter_args(%scan3A_204 = %scan3A_161) -> (i32)  : i32 {
        %get3A = arith.index_cast %scan3A_203 : i32 to index
        %get3A_205 = arith.constant 0 : index
        %get3A_206 = tpu.vector_load %arg9[%get3A, %get3A_205] {strides = array<i32>} : memref<128x128xf32, #tpu.memory_space<vmem>>, vector<1x16xf32>,
        %get3A_207 = vector.shape_cast %get3A_206 : vector<1x16xf32> to vector<16xf32>
        %mul3A_208 = arith.constant 11.3137083 : f32
        %mul3A_209 = vector.broadcast %mul3A_208 : f32 to vector<16xf32>
        %mul3A_210 = arith.mulf %get3A_207, %mul3A_209 : vector<16xf32>
        %swap3A = arith.index_cast %scan3A_203 : i32 to index
        %swap3A_211 = arith.constant 0 : index
        %swap3A_212 = tpu.vector_load %arg9[%swap3A, %swap3A_211] {strides = array<i32>} : memref<128x128xf32, #tpu.memory_space<vmem>>, vector<1x16xf32>,
        %swap3A_213 = vector.shape_cast %swap3A_212 : vector<1x16xf32> to vector<16xf32>
        %swap3A_214 = vector.shape_cast %mul3A_210 : vector<16xf32> to vector<1x16xf32>
        tpu.vector_store %arg9[%swap3A, %swap3A_211], %swap3A_214 {strides = array<i32>} : memref<128x128xf32, #tpu.memory_space<vmem>>, vector<1x16xf32>,
        %get3A_215 = arith.index_cast %scan3A_203 : i32 to index
        %get3A_216 = arith.constant 16 : index
        %get3A_217 = tpu.vector_load %arg9[%get3A_215, %get3A_216] {strides = array<i32>} : memref<128x128xf32, #tpu.memory_space<vmem>>, vector<1x16xf32>,
        %get3A_218 = vector.shape_cast %get3A_217 : vector<1x16xf32> to vector<16xf32>
        %mul3A_219 = arith.constant 11.3137083 : f32
        %mul3A_220 = vector.broadcast %mul3A_219 : f32 to vector<16xf32>
        %mul3A_221 = arith.mulf %get3A_218, %mul3A_220 : vector<16xf32>
        %swap3A_222 = arith.index_cast %scan3A_203 : i32 to index
        %swap3A_223 = arith.constant 16 : index
        %swap3A_224 = tpu.vector_load %arg9[%swap3A_222, %swap3A_223] {strides = array<i32>} : memref<128x128xf32, #tpu.memory_space<vmem>>, vector<1x16xf32>,
        %swap3A_225 = vector.shape_cast %swap3A_224 : vector<1x16xf32> to vector<16xf32>
        %swap3A_226 = vector.shape_cast %mul3A_221 : vector<16xf32> to vector<1x16xf32>
        tpu.vector_store %arg9[%swap3A_222, %swap3A_223], %swap3A_226 {strides = array<i32>} : memref<128x128xf32, #tpu.memory_space<vmem>>, vector<1x16xf32>,
        %get3A_227 = arith.index_cast %scan3A_203 : i32 to index
        %get3A_228 = arith.constant 32 : index
        %get3A_229 = tpu.vector_load %arg9[%get3A_227, %get3A_228] {strides = array<i32>} : memref<128x128xf32, #tpu.memory_space<vmem>>, vector<1x16xf32>,
        %get3A_230 = vector.shape_cast %get3A_229 : vector<1x16xf32> to vector<16xf32>
        %mul3A_231 = arith.constant 11.3137083 : f32
        %mul3A_232 = vector.broadcast %mul3A_231 : f32 to vector<16xf32>
        %mul3A_233 = arith.mulf %get3A_230, %mul3A_232 : vector<16xf32>
        %swap3A_234 = arith.index_cast %scan3A_203 : i32 to index
        %swap3A_235 = arith.constant 32 : index
        %swap3A_236 = tpu.vector_load %arg9[%swap3A_234, %swap3A_235] {strides = array<i32>} : memref<128x128xf32, #tpu.memory_space<vmem>>, vector<1x16xf32>,
        %swap3A_237 = vector.shape_cast %swap3A_236 : vector<1x16xf32> to vector<16xf32>
        %swap3A_238 = vector.shape_cast %mul3A_233 : vector<16xf32> to vector<1x16xf32>
        tpu.vector_store %arg9[%swap3A_234, %swap3A_235], %swap3A_238 {strides = array<i32>} : memref<128x128xf32, #tpu.memory_space<vmem>>, vector<1x16xf32>,
        %get3A_239 = arith.index_cast %scan3A_203 : i32 to index
        %get3A_240 = arith.constant 48 : index
        %get3A_241 = tpu.vector_load %arg9[%get3A_239, %get3A_240] {strides = array<i32>} : memref<128x128xf32, #tpu.memory_space<vmem>>, vector<1x16xf32>,
        %get3A_242 = vector.shape_cast %get3A_241 : vector<1x16xf32> to vector<16xf32>
        %mul3A_243 = arith.constant 11.3137083 : f32
        %mul3A_244 = vector.broadcast %mul3A_243 : f32 to vector<16xf32>
        %mul3A_245 = arith.mulf %get3A_242, %mul3A_244 : vector<16xf32>
        %swap3A_246 = arith.index_cast %scan3A_203 : i32 to index
        %swap3A_247 = arith.constant 48 : index
        %swap3A_248 = tpu.vector_load %arg9[%swap3A_246, %swap3A_247] {strides = array<i32>} : memref<128x128xf32, #tpu.memory_space<vmem>>, vector<1x16xf32>,
        %swap3A_249 = vector.shape_cast %swap3A_248 : vector<1x16xf32> to vector<16xf32>
        %swap3A_250 = vector.shape_cast %mul3A_245 : vector<16xf32> to vector<1x16xf32>
        tpu.vector_store %arg9[%swap3A_246, %swap3A_247], %swap3A_250 {strides = array<i32>} : memref<128x128xf32, #tpu.memory_space<vmem>>, vector<1x16xf32>,
        %get3A_251 = arith.index_cast %scan3A_203 : i32 to index
        %get3A_252 = arith.constant 64 : index
        %get3A_253 = tpu.vector_load %arg9[%get3A_251, %get3A_252] {strides = array<i32>} : memref<128x128xf32, #tpu.memory_space<vmem>>, vector<1x16xf32>,
        %get3A_254 = vector.shape_cast %get3A_253 : vector<1x16xf32> to vector<16xf32>
        %mul3A_255 = arith.constant 11.3137083 : f32
        %mul3A_256 = vector.broadcast %mul3A_255 : f32 to vector<16xf32>
        %mul3A_257 = arith.mulf %get3A_254, %mul3A_256 : vector<16xf32>
        %swap3A_258 = arith.index_cast %scan3A_203 : i32 to index
        %swap3A_259 = arith.constant 64 : index
        %swap3A_260 = tpu.vector_load %arg9[%swap3A_258, %swap3A_259] {strides = array<i32>} : memref<128x128xf32, #tpu.memory_space<vmem>>, vector<1x16xf32>,
        %swap3A_261 = vector.shape_cast %swap3A_260 : vector<1x16xf32> to vector<16xf32>
        %swap3A_262 = vector.shape_cast %mul3A_257 : vector<16xf32> to vector<1x16xf32>
        tpu.vector_store %arg9[%swap3A_258, %swap3A_259], %swap3A_262 {strides = array<i32>} : memref<128x128xf32, #tpu.memory_space<vmem>>, vector<1x16xf32>,
        %get3A_263 = arith.index_cast %scan3A_203 : i32 to index
        %get3A_264 = arith.constant 80 : index
        %get3A_265 = tpu.vector_load %arg9[%get3A_263, %get3A_264] {strides = array<i32>} : memref<128x128xf32, #tpu.memory_space<vmem>>, vector<1x16xf32>,
        %get3A_266 = vector.shape_cast %get3A_265 : vector<1x16xf32> to vector<16xf32>
        %mul3A_267 = arith.constant 11.3137083 : f32
        %mul3A_268 = vector.broadcast %mul3A_267 : f32 to vector<16xf32>
        %mul3A_269 = arith.mulf %get3A_266, %mul3A_268 : vector<16xf32>
        %swap3A_270 = arith.index_cast %scan3A_203 : i32 to index
        %swap3A_271 = arith.constant 80 : index
        %swap3A_272 = tpu.vector_load %arg9[%swap3A_270, %swap3A_271] {strides = array<i32>} : memref<128x128xf32, #tpu.memory_space<vmem>>, vector<1x16xf32>,
        %swap3A_273 = vector.shape_cast %swap3A_272 : vector<1x16xf32> to vector<16xf32>
        %swap3A_274 = vector.shape_cast %mul3A_269 : vector<16xf32> to vector<1x16xf32>
        tpu.vector_store %arg9[%swap3A_270, %swap3A_271], %swap3A_274 {strides = array<i32>} : memref<128x128xf32, #tpu.memory_space<vmem>>, vector<1x16xf32>,
        %get3A_275 = arith.index_cast %scan3A_203 : i32 to index
        %get3A_276 = arith.constant 96 : index
        %get3A_277 = tpu.vector_load %arg9[%get3A_275, %get3A_276] {strides = array<i32>} : memref<128x128xf32, #tpu.memory_space<vmem>>, vector<1x16xf32>,
        %get3A_278 = vector.shape_cast %get3A_277 : vector<1x16xf32> to vector<16xf32>
        %mul3A_279 = arith.constant 11.3137083 : f32
        %mul3A_280 = vector.broadcast %mul3A_279 : f32 to vector<16xf32>
        %mul3A_281 = arith.mulf %get3A_278, %mul3A_280 : vector<16xf32>
        %swap3A_282 = arith.index_cast %scan3A_203 : i32 to index
        %swap3A_283 = arith.constant 96 : index
        %swap3A_284 = tpu.vector_load %arg9[%swap3A_282, %swap3A_283] {strides = array<i32>} : memref<128x128xf32, #tpu.memory_space<vmem>>, vector<1x16xf32>,
        %swap3A_285 = vector.shape_cast %swap3A_284 : vector<1x16xf32> to vector<16xf32>
        %swap3A_286 = vector.shape_cast %mul3A_281 : vector<16xf32> to vector<1x16xf32>
        tpu.vector_store %arg9[%swap3A_282, %swap3A_283], %swap3A_286 {strides = array<i32>} : memref<128x128xf32, #tpu.memory_space<vmem>>, vector<1x16xf32>,
        %get3A_287 = arith.index_cast %scan3A_203 : i32 to index
        %get3A_288 = arith.constant 112 : index
        %get3A_289 = tpu.vector_load %arg9[%get3A_287, %get3A_288] {strides = array<i32>} : memref<128x128xf32, #tpu.memory_space<vmem>>, vector<1x16xf32>,
        %get3A_290 = vector.shape_cast %get3A_289 : vector<1x16xf32> to vector<16xf32>
        %mul3A_291 = arith.constant 11.3137083 : f32
        %mul3A_292 = vector.broadcast %mul3A_291 : f32 to vector<16xf32>
        %mul3A_293 = arith.mulf %get3A_290, %mul3A_292 : vector<16xf32>
        %swap3A_294 = arith.index_cast %scan3A_203 : i32 to index
        %swap3A_295 = arith.constant 112 : index
        %swap3A_296 = tpu.vector_load %arg9[%swap3A_294, %swap3A_295] {strides = array<i32>} : memref<128x128xf32, #tpu.memory_space<vmem>>, vector<1x16xf32>,
        %swap3A_297 = vector.shape_cast %swap3A_296 : vector<1x16xf32> to vector<16xf32>
        %swap3A_298 = vector.shape_cast %mul3A_293 : vector<16xf32> to vector<1x16xf32>
        tpu.vector_store %arg9[%swap3A_294, %swap3A_295], %swap3A_298 {strides = array<i32>} : memref<128x128xf32, #tpu.memory_space<vmem>>, vector<1x16xf32>,
        %scan3A_299 = arith.constant 0 : i32
        scf.yield %scan3A_299 : i32
      }
      %scan3A_167 = arith.constant 128 : i32
      %mul3A_168 = arith.constant 128 : i32
      %mul3A_169 = arith.muli %add3A_150, %mul3A_168 : i32
      %add3A_170 = arith.addi %mul3A_2, %mul3A_169 : i32
      %dma_start3A_171 = arith.constant 0 : i32
      %dma_start3A_172 = tpu.memref_slice %arg4[%add3A_170, %dma_start3A_171] : memref<819200x128xf32, #tpu.memory_space<hbm>> -> memref<128x128xf32, #tpu.memory_space<hbm>>
      %dma_start3A_173 = arith.constant 0 : i32
      %dma_start3A_174 = tpu.memref_slice %arg4[%add3A_170, %dma_start3A_173] : memref<819200x128xf32, #tpu.memory_space<hbm>> -> memref<128x128xf32, #tpu.memory_space<hbm>>
      tpu.enqueue_dma source(%arg9 : memref<128x128xf32, #tpu.memory_space<vmem>>) target(%dma_start3A_174 : memref<128x128xf32, #tpu.memory_space<hbm>>) target_semaphore(%arg19 : memref<!tpu.dma_semaphore, #tpu.memory_space<semaphore_mem>>)
      %add3A_175 = arith.constant 4 : i32
      %add3A_176 = arith.addi %mul3A_46, %add3A_175 : i32
      %lt3A_177 = arith.constant 195 : i32
      %lt3A_178 = arith.cmpi slt, %mul3A_46, %lt3A_177 : i32
      %convert_element_type3A_179 = arith.extui %lt3A_178 : i1 to i32
      %cond3A_180 = arith.constant 0 : i32
      %cond3A_181 = arith.cmpi ne, %convert_element_type3A_179, %cond3A_180 : i32
      scf.if %cond3A_181 {
        %dma_wait3A_203 = arith.constant 0 : i32
        %dma_wait3A_204 = tpu.memref_slice %arg4[%mul3A_2, %dma_wait3A_203] : memref<819200x128xf32, #tpu.memory_space<hbm>> -> memref<128x128xf32, #tpu.memory_space<hbm>>
        %dma_wait3A_205 = arith.constant 0 : i32
        %dma_wait3A_206 = tpu.memref_slice %arg4[%mul3A_2, %dma_wait3A_205] : memref<819200x128xf32, #tpu.memory_space<hbm>> -> memref<128x128xf32, #tpu.memory_space<hbm>>
        tpu.wait_dma2 semaphore(%arg17 : memref<!tpu.dma_semaphore, #tpu.memory_space<semaphore_mem>>) src(%arg7 : memref<128x128xf32, #tpu.memory_space<vmem>>) dst(%dma_wait3A_206 : memref<128x128xf32, #tpu.memory_space<hbm>>)
        %add3A_207 = arith.constant 2 : i32
        %add3A_208 = arith.addi %add3A_176, %add3A_207 : i32
        %dma_start3A_209 = arith.constant 0 : i32
        %dma_start3A_210 = tpu.memref_slice %arg5[%add3A_208, %dma_start3A_209] : memref<200x128xi32, #tpu.memory_space<vmem>> -> memref<1x128xi32, #tpu.memory_space<vmem>>
        %dma_start3A_211 = tpu.memref_squeeze %dma_start3A_210 : memref<1x128xi32, #tpu.memory_space<vmem>> -> memref<128xi32, #tpu.memory_space<vmem>>
        %dma_start3A_212 = arith.constant 0 : i32
        %dma_start3A_213 = arith.constant 0 : i32
        %dma_start3A_214 = tpu.memref_slice %arg3[%dma_start3A_212, %dma_start3A_213] : memref<1000000x128xf32, #tpu.memory_space<hbm>> -> memref<1000000x128xf32, #tpu.memory_space<hbm>>
        tpu.enqueue_indirect_dma source(%dma_start3A_214 : memref<1000000x128xf32, #tpu.memory_space<hbm>>) target(%arg7 : memref<128x128xf32, #tpu.memory_space<vmem>>) offsets(%dma_start3A_211 : memref<128xi32, #tpu.memory_space<vmem>>) semaphore(%arg12 : memref<!tpu.dma_semaphore, #tpu.memory_space<semaphore_mem>>)
      } else {
      }
      %dma_wait3A_182 = arith.constant 0 : i32
      %dma_wait3A_183 = arith.constant 0 : i32
      %dma_wait3A_184 = tpu.memref_slice %arg3[%dma_wait3A_182, %dma_wait3A_183] : memref<1000000x128xf32, #tpu.memory_space<hbm>> -> memref<128x128xf32, #tpu.memory_space<hbm>>
      %dma_wait3A_185 = arith.constant 0 : i32
      %dma_wait3A_186 = arith.constant 0 : i32
      %dma_wait3A_187 = tpu.memref_slice %arg3[%dma_wait3A_185, %dma_wait3A_186] : memref<1000000x128xf32, #tpu.memory_space<hbm>> -> memref<128x128xf32, #tpu.memory_space<hbm>>
      tpu.wait_dma2 semaphore(%arg15 : memref<!tpu.dma_semaphore, #tpu.memory_space<semaphore_mem>>) src(%dma_wait3A_187 : memref<128x128xf32, #tpu.memory_space<hbm>>) dst(%arg10 : memref<128x128xf32, #tpu.memory_space<vmem>>)
      %scan3A_188 = arith.constant 0 : i32
      %scan3A_189 = arith.constant 0 : i32
      %scan3A_190 = arith.constant 128 : i32
      %scan3A_191 = arith.addi %scan3A_189, %scan3A_190 : i32
      %scan3A_192 = arith.constant 1 : i32
      %scan3A_193 = scf.for %scan3A_203 = %scan3A_189 to %scan3A_191 step %scan3A_192 iter_args(%scan3A_204 = %scan3A_188) -> (i32)  : i32 {
        %get3A = arith.index_cast %scan3A_203 : i32 to index
        %get3A_205 = arith.constant 0 : index
        %get3A_206 = tpu.vector_load %arg10[%get3A, %get3A_205] {strides = array<i32>} : memref<128x128xf32, #tpu.memory_space<vmem>>, vector<1x16xf32>,
        %get3A_207 = vector.shape_cast %get3A_206 : vector<1x16xf32> to vector<16xf32>
        %mul3A_208 = arith.constant 11.3137083 : f32
        %mul3A_209 = vector.broadcast %mul3A_208 : f32 to vector<16xf32>
        %mul3A_210 = arith.mulf %get3A_207, %mul3A_209 : vector<16xf32>
        %swap3A = arith.index_cast %scan3A_203 : i32 to index
        %swap3A_211 = arith.constant 0 : index
        %swap3A_212 = tpu.vector_load %arg10[%swap3A, %swap3A_211] {strides = array<i32>} : memref<128x128xf32, #tpu.memory_space<vmem>>, vector<1x16xf32>,
        %swap3A_213 = vector.shape_cast %swap3A_212 : vector<1x16xf32> to vector<16xf32>
        %swap3A_214 = vector.shape_cast %mul3A_210 : vector<16xf32> to vector<1x16xf32>
        tpu.vector_store %arg10[%swap3A, %swap3A_211], %swap3A_214 {strides = array<i32>} : memref<128x128xf32, #tpu.memory_space<vmem>>, vector<1x16xf32>,
        %get3A_215 = arith.index_cast %scan3A_203 : i32 to index
        %get3A_216 = arith.constant 16 : index
        %get3A_217 = tpu.vector_load %arg10[%get3A_215, %get3A_216] {strides = array<i32>} : memref<128x128xf32, #tpu.memory_space<vmem>>, vector<1x16xf32>,
        %get3A_218 = vector.shape_cast %get3A_217 : vector<1x16xf32> to vector<16xf32>
        %mul3A_219 = arith.constant 11.3137083 : f32
        %mul3A_220 = vector.broadcast %mul3A_219 : f32 to vector<16xf32>
        %mul3A_221 = arith.mulf %get3A_218, %mul3A_220 : vector<16xf32>
        %swap3A_222 = arith.index_cast %scan3A_203 : i32 to index
        %swap3A_223 = arith.constant 16 : index
        %swap3A_224 = tpu.vector_load %arg10[%swap3A_222, %swap3A_223] {strides = array<i32>} : memref<128x128xf32, #tpu.memory_space<vmem>>, vector<1x16xf32>,
        %swap3A_225 = vector.shape_cast %swap3A_224 : vector<1x16xf32> to vector<16xf32>
        %swap3A_226 = vector.shape_cast %mul3A_221 : vector<16xf32> to vector<1x16xf32>
        tpu.vector_store %arg10[%swap3A_222, %swap3A_223], %swap3A_226 {strides = array<i32>} : memref<128x128xf32, #tpu.memory_space<vmem>>, vector<1x16xf32>,
        %get3A_227 = arith.index_cast %scan3A_203 : i32 to index
        %get3A_228 = arith.constant 32 : index
        %get3A_229 = tpu.vector_load %arg10[%get3A_227, %get3A_228] {strides = array<i32>} : memref<128x128xf32, #tpu.memory_space<vmem>>, vector<1x16xf32>,
        %get3A_230 = vector.shape_cast %get3A_229 : vector<1x16xf32> to vector<16xf32>
        %mul3A_231 = arith.constant 11.3137083 : f32
        %mul3A_232 = vector.broadcast %mul3A_231 : f32 to vector<16xf32>
        %mul3A_233 = arith.mulf %get3A_230, %mul3A_232 : vector<16xf32>
        %swap3A_234 = arith.index_cast %scan3A_203 : i32 to index
        %swap3A_235 = arith.constant 32 : index
        %swap3A_236 = tpu.vector_load %arg10[%swap3A_234, %swap3A_235] {strides = array<i32>} : memref<128x128xf32, #tpu.memory_space<vmem>>, vector<1x16xf32>,
        %swap3A_237 = vector.shape_cast %swap3A_236 : vector<1x16xf32> to vector<16xf32>
        %swap3A_238 = vector.shape_cast %mul3A_233 : vector<16xf32> to vector<1x16xf32>
        tpu.vector_store %arg10[%swap3A_234, %swap3A_235], %swap3A_238 {strides = array<i32>} : memref<128x128xf32, #tpu.memory_space<vmem>>, vector<1x16xf32>,
        %get3A_239 = arith.index_cast %scan3A_203 : i32 to index
        %get3A_240 = arith.constant 48 : index
        %get3A_241 = tpu.vector_load %arg10[%get3A_239, %get3A_240] {strides = array<i32>} : memref<128x128xf32, #tpu.memory_space<vmem>>, vector<1x16xf32>,
        %get3A_242 = vector.shape_cast %get3A_241 : vector<1x16xf32> to vector<16xf32>
        %mul3A_243 = arith.constant 11.3137083 : f32
        %mul3A_244 = vector.broadcast %mul3A_243 : f32 to vector<16xf32>
        %mul3A_245 = arith.mulf %get3A_242, %mul3A_244 : vector<16xf32>
        %swap3A_246 = arith.index_cast %scan3A_203 : i32 to index
        %swap3A_247 = arith.constant 48 : index
        %swap3A_248 = tpu.vector_load %arg10[%swap3A_246, %swap3A_247] {strides = array<i32>} : memref<128x128xf32, #tpu.memory_space<vmem>>, vector<1x16xf32>,
        %swap3A_249 = vector.shape_cast %swap3A_248 : vector<1x16xf32> to vector<16xf32>
        %swap3A_250 = vector.shape_cast %mul3A_245 : vector<16xf32> to vector<1x16xf32>
        tpu.vector_store %arg10[%swap3A_246, %swap3A_247], %swap3A_250 {strides = array<i32>} : memref<128x128xf32, #tpu.memory_space<vmem>>, vector<1x16xf32>,
        %get3A_251 = arith.index_cast %scan3A_203 : i32 to index
        %get3A_252 = arith.constant 64 : index
        %get3A_253 = tpu.vector_load %arg10[%get3A_251, %get3A_252] {strides = array<i32>} : memref<128x128xf32, #tpu.memory_space<vmem>>, vector<1x16xf32>,
        %get3A_254 = vector.shape_cast %get3A_253 : vector<1x16xf32> to vector<16xf32>
        %mul3A_255 = arith.constant 11.3137083 : f32
        %mul3A_256 = vector.broadcast %mul3A_255 : f32 to vector<16xf32>
        %mul3A_257 = arith.mulf %get3A_254, %mul3A_256 : vector<16xf32>
        %swap3A_258 = arith.index_cast %scan3A_203 : i32 to index
        %swap3A_259 = arith.constant 64 : index
        %swap3A_260 = tpu.vector_load %arg10[%swap3A_258, %swap3A_259] {strides = array<i32>} : memref<128x128xf32, #tpu.memory_space<vmem>>, vector<1x16xf32>,
        %swap3A_261 = vector.shape_cast %swap3A_260 : vector<1x16xf32> to vector<16xf32>
        %swap3A_262 = vector.shape_cast %mul3A_257 : vector<16xf32> to vector<1x16xf32>
        tpu.vector_store %arg10[%swap3A_258, %swap3A_259], %swap3A_262 {strides = array<i32>} : memref<128x128xf32, #tpu.memory_space<vmem>>, vector<1x16xf32>,
        %get3A_263 = arith.index_cast %scan3A_203 : i32 to index
        %get3A_264 = arith.constant 80 : index
        %get3A_265 = tpu.vector_load %arg10[%get3A_263, %get3A_264] {strides = array<i32>} : memref<128x128xf32, #tpu.memory_space<vmem>>, vector<1x16xf32>,
        %get3A_266 = vector.shape_cast %get3A_265 : vector<1x16xf32> to vector<16xf32>
        %mul3A_267 = arith.constant 11.3137083 : f32
        %mul3A_268 = vector.broadcast %mul3A_267 : f32 to vector<16xf32>
        %mul3A_269 = arith.mulf %get3A_266, %mul3A_268 : vector<16xf32>
        %swap3A_270 = arith.index_cast %scan3A_203 : i32 to index
        %swap3A_271 = arith.constant 80 : index
        %swap3A_272 = tpu.vector_load %arg10[%swap3A_270, %swap3A_271] {strides = array<i32>} : memref<128x128xf32, #tpu.memory_space<vmem>>, vector<1x16xf32>,
        %swap3A_273 = vector.shape_cast %swap3A_272 : vector<1x16xf32> to vector<16xf32>
        %swap3A_274 = vector.shape_cast %mul3A_269 : vector<16xf32> to vector<1x16xf32>
        tpu.vector_store %arg10[%swap3A_270, %swap3A_271], %swap3A_274 {strides = array<i32>} : memref<128x128xf32, #tpu.memory_space<vmem>>, vector<1x16xf32>,
        %get3A_275 = arith.index_cast %scan3A_203 : i32 to index
        %get3A_276 = arith.constant 96 : index
        %get3A_277 = tpu.vector_load %arg10[%get3A_275, %get3A_276] {strides = array<i32>} : memref<128x128xf32, #tpu.memory_space<vmem>>, vector<1x16xf32>,
        %get3A_278 = vector.shape_cast %get3A_277 : vector<1x16xf32> to vector<16xf32>
        %mul3A_279 = arith.constant 11.3137083 : f32
        %mul3A_280 = vector.broadcast %mul3A_279 : f32 to vector<16xf32>
        %mul3A_281 = arith.mulf %get3A_278, %mul3A_280 : vector<16xf32>
        %swap3A_282 = arith.index_cast %scan3A_203 : i32 to index
        %swap3A_283 = arith.constant 96 : index
        %swap3A_284 = tpu.vector_load %arg10[%swap3A_282, %swap3A_283] {strides = array<i32>} : memref<128x128xf32, #tpu.memory_space<vmem>>, vector<1x16xf32>,
        %swap3A_285 = vector.shape_cast %swap3A_284 : vector<1x16xf32> to vector<16xf32>
        %swap3A_286 = vector.shape_cast %mul3A_281 : vector<16xf32> to vector<1x16xf32>
        tpu.vector_store %arg10[%swap3A_282, %swap3A_283], %swap3A_286 {strides = array<i32>} : memref<128x128xf32, #tpu.memory_space<vmem>>, vector<1x16xf32>,
        %get3A_287 = arith.index_cast %scan3A_203 : i32 to index
        %get3A_288 = arith.constant 112 : index
        %get3A_289 = tpu.vector_load %arg10[%get3A_287, %get3A_288] {strides = array<i32>} : memref<128x128xf32, #tpu.memory_space<vmem>>, vector<1x16xf32>,
        %get3A_290 = vector.shape_cast %get3A_289 : vector<1x16xf32> to vector<16xf32>
        %mul3A_291 = arith.constant 11.3137083 : f32
        %mul3A_292 = vector.broadcast %mul3A_291 : f32 to vector<16xf32>
        %mul3A_293 = arith.mulf %get3A_290, %mul3A_292 : vector<16xf32>
        %swap3A_294 = arith.index_cast %scan3A_203 : i32 to index
        %swap3A_295 = arith.constant 112 : index
        %swap3A_296 = tpu.vector_load %arg10[%swap3A_294, %swap3A_295] {strides = array<i32>} : memref<128x128xf32, #tpu.memory_space<vmem>>, vector<1x16xf32>,
        %swap3A_297 = vector.shape_cast %swap3A_296 : vector<1x16xf32> to vector<16xf32>
        %swap3A_298 = vector.shape_cast %mul3A_293 : vector<16xf32> to vector<1x16xf32>
        tpu.vector_store %arg10[%swap3A_294, %swap3A_295], %swap3A_298 {strides = array<i32>} : memref<128x128xf32, #tpu.memory_space<vmem>>, vector<1x16xf32>,
        %scan3A_299 = arith.constant 0 : i32
        scf.yield %scan3A_299 : i32
      }
      %scan3A_194 = arith.constant 128 : i32
      %mul3A_195 = arith.constant 128 : i32
      %mul3A_196 = arith.muli %add3A_176, %mul3A_195 : i32
      %add3A_197 = arith.addi %mul3A_2, %mul3A_196 : i32
      %dma_start3A_198 = arith.constant 0 : i32
      %dma_start3A_199 = tpu.memref_slice %arg4[%add3A_197, %dma_start3A_198] : memref<819200x128xf32, #tpu.memory_space<hbm>> -> memref<128x128xf32, #tpu.memory_space<hbm>>
      %dma_start3A_200 = arith.constant 0 : i32
      %dma_start3A_201 = tpu.memref_slice %arg4[%add3A_197, %dma_start3A_200] : memref<819200x128xf32, #tpu.memory_space<hbm>> -> memref<128x128xf32, #tpu.memory_space<hbm>>
      tpu.enqueue_dma source(%arg10 : memref<128x128xf32, #tpu.memory_space<vmem>>) target(%dma_start3A_201 : memref<128x128xf32, #tpu.memory_space<hbm>>) target_semaphore(%arg20 : memref<!tpu.dma_semaphore, #tpu.memory_space<semaphore_mem>>)
      %scan3A_202 = arith.constant 0 : i32
      scf.yield %scan3A_202 : i32
    }
    %scan3A_23 = arith.constant 40 : i32
    %dma_wait3A = arith.constant 0 : i32
    %dma_wait3A_24 = tpu.memref_slice %arg4[%mul3A_2, %dma_wait3A] : memref<819200x128xf32, #tpu.memory_space<hbm>> -> memref<128x128xf32, #tpu.memory_space<hbm>>
    %dma_wait3A_25 = arith.constant 0 : i32
    %dma_wait3A_26 = tpu.memref_slice %arg4[%mul3A_2, %dma_wait3A_25] : memref<819200x128xf32, #tpu.memory_space<hbm>> -> memref<128x128xf32, #tpu.memory_space<hbm>>
    tpu.wait_dma2 semaphore(%arg16 : memref<!tpu.dma_semaphore, #tpu.memory_space<semaphore_mem>>) src(%arg6 : memref<128x128xf32, #tpu.memory_space<vmem>>) dst(%dma_wait3A_26 : memref<128x128xf32, #tpu.memory_space<hbm>>)
    %dma_wait3A_27 = arith.constant 0 : i32
    %dma_wait3A_28 = tpu.memref_slice %arg4[%mul3A_2, %dma_wait3A_27] : memref<819200x128xf32, #tpu.memory_space<hbm>> -> memref<128x128xf32, #tpu.memory_space<hbm>>
    %dma_wait3A_29 = arith.constant 0 : i32
    %dma_wait3A_30 = tpu.memref_slice %arg4[%mul3A_2, %dma_wait3A_29] : memref<819200x128xf32, #tpu.memory_space<hbm>> -> memref<128x128xf32, #tpu.memory_space<hbm>>
    tpu.wait_dma2 semaphore(%arg17 : memref<!tpu.dma_semaphore, #tpu.memory_space<semaphore_mem>>) src(%arg7 : memref<128x128xf32, #tpu.memory_space<vmem>>) dst(%dma_wait3A_30 : memref<128x128xf32, #tpu.memory_space<hbm>>)
    %dma_wait3A_31 = arith.constant 0 : i32
    %dma_wait3A_32 = tpu.memref_slice %arg4[%mul3A_2, %dma_wait3A_31] : memref<819200x128xf32, #tpu.memory_space<hbm>> -> memref<128x128xf32, #tpu.memory_space<hbm>>
    %dma_wait3A_33 = arith.constant 0 : i32
    %dma_wait3A_34 = tpu.memref_slice %arg4[%mul3A_2, %dma_wait3A_33] : memref<819200x128xf32, #tpu.memory_space<hbm>> -> memref<128x128xf32, #tpu.memory_space<hbm>>
    tpu.wait_dma2 semaphore(%arg18 : memref<!tpu.dma_semaphore, #tpu.memory_space<semaphore_mem>>) src(%arg8 : memref<128x128xf32, #tpu.memory_space<vmem>>) dst(%dma_wait3A_34 : memref<128x128xf32, #tpu.memory_space<hbm>>)
    %dma_wait3A_35 = arith.constant 0 : i32
    %dma_wait3A_36 = tpu.memref_slice %arg4[%mul3A_2, %dma_wait3A_35] : memref<819200x128xf32, #tpu.memory_space<hbm>> -> memref<128x128xf32, #tpu.memory_space<hbm>>
    %dma_wait3A_37 = arith.constant 0 : i32
    %dma_wait3A_38 = tpu.memref_slice %arg4[%mul3A_2, %dma_wait3A_37] : memref<819200x128xf32, #tpu.memory_space<hbm>> -> memref<128x128xf32, #tpu.memory_space<hbm>>
    tpu.wait_dma2 semaphore(%arg19 : memref<!tpu.dma_semaphore, #tpu.memory_space<semaphore_mem>>) src(%arg9 : memref<128x128xf32, #tpu.memory_space<vmem>>) dst(%dma_wait3A_38 : memref<128x128xf32, #tpu.memory_space<hbm>>)
    %dma_wait3A_39 = arith.constant 0 : i32
    %dma_wait3A_40 = tpu.memref_slice %arg4[%mul3A_2, %dma_wait3A_39] : memref<819200x128xf32, #tpu.memory_space<hbm>> -> memref<128x128xf32, #tpu.memory_space<hbm>>
    %dma_wait3A_41 = arith.constant 0 : i32
    %dma_wait3A_42 = tpu.memref_slice %arg4[%mul3A_2, %dma_wait3A_41] : memref<819200x128xf32, #tpu.memory_space<hbm>> -> memref<128x128xf32, #tpu.memory_space<hbm>>
    tpu.wait_dma2 semaphore(%arg20 : memref<!tpu.dma_semaphore, #tpu.memory_space<semaphore_mem>>) src(%arg10 : memref<128x128xf32, #tpu.memory_space<vmem>>) dst(%dma_wait3A_42 : memref<128x128xf32, #tpu.memory_space<hbm>>)
    return
  }
}

</mosaic_0001>

<sc_bundles>
// kernel: _embed_sc.3.cloned.1.call-start
scs
__scs_entry_jumppad:
0x0: {  	(pc) =	sbr.rel $0x88, $3  }
0x1: {  	(tag) =	ssettag $0x0;
	lr =	simm.s32 $0x1  }
0x2: {  	[smem:$0x3F9F] =	sst lr;
	_ =	strace $0xD0000000  }
0x3: {  	_ = 	snop  }
0x4: {  	_ = 	snop  }
0x5: {  	_ = 	snop  }
0x6: {  	_ = 	snop  }
0x7: {  	_ = 	snop  }
__scs_overlays_trampoline_lowered:
0x8: {  	[smem:$0x3FAE] =	sst s0  }
0x9: {  	[smem:$0x3FAF] =	sst s1  }
0xa: {  	[smem:$0x3FB0] =	sst s2  }
0xb: {  	[smem:$0x3FB1] =	sst s3  }
0xc: {  	[smem:$0x3FB2] =	sst s4  }
0xd: {  	[smem:$0x3FB3] =	sst s5  }
0xe: {  	[smem:$0x3FB4] =	sst s6  }
0xf: {  	[smem:$0x3FB5] =	sst s7  }
0x10: {  	[smem:$0x3FB6] =	sst s8  }
0x11: {  	[smem:$0x3FB7] =	sst s9;
	s0 =	simm.s32 @!p0 $0x0  }
0x12: {  	s1 =	sld [smem:$0x3F9D];
	s0 =	simm.s32 @p0 $0x1  }
0x13: {  	[smem:$0x3FB8] =	sst s0;
	s0 =	simm.s32 @!p1 $0x0  }
0x14: {  	s2 =	sld [smem:$0x3F9C];
	s0 =	simm.s32 @p1 $0x1  }
0x15: {  	[smem:$0x3FB9] =	sst s0;
	s0 =	simm.s32 @!p2 $0x0  }
0x16: {  	s3 =	sld [smem:$0x3FDB];
	s0 =	simm.s32 @p2 $0x1  }
0x17: {  	s4 =	simm.s32 $0x1BF5;
	[smem:$0x3FBB] =	sst s0  }
0x18: {  	s0 =	sld [smem:$0x3F9E];
	_ =	swait.ge [sflag:s4], $0x0  }
0x19: {  	s7 =	sld [smem:$0x3F9F]  }
0x1a: {  	s8 =	sadd.s32 $0xFFFFE003, lr  }
0x1b: {  	s9 =	sadd.s32 $0xFFFFFEF7, lr;
	s5 =	simm.s32 $0xFFFFFFFF;
	p2 =	slt.u32 s8, $0xFFFFF086  }
0x1c: {  	p1 =	slt.u32 s9, $0xF7A;
	s5 =	simm.s32 @!p2 $0x0  }
0x1d: {  	s5 =	simm.s32 @p1 $0x1;
	p0 =	seq.s32 s7, s2  }
0x1e: {  	s7 =	smul.u32 @!p0 $0xF7A, s2;
	p2 =	seq.s32 @!p0 s5, $0x0  }
0x1f: {  	s9 =	smul.u32 $0xF7A, s1;
	s8 =	simm.s32 @!p0 $0x1BF5;
	p2 =	por !p2, p0  }
0x20: {  	[sflag:s8] =	ssyncset.s32 @!p0 $0xFFFFF086;
	s6 =	sadd.s32 @!p0 s3, s7;
	s7 =	simm.s32 @!p0 $0x108  }
0x21: {  	s3 =	sadd.s32 s3, s9;
	s6 =	sadd.s32 @!p0 $0x88, s6;
	s7 =	simm.s32 @p2 $0x1082  }
0x22: {  	[simem:s7], [sflag:s8] =	dma.local @!p0 [hbm:s6], $0xF7A  }
0x23: {  	s9 =	sor.u32 $0xD0000000, s2;
	s6 =	simm.s32 $0x108;
	_ =	swait.ge @!p0 [sflag:s8], $0x0  }
0x24: {  	s3 =	sadd.s32 $0x88, s3;
	s6 =	simm.s32 @!p1 $0x1082;
	[sflag:s4] =	ssyncset.s32 $0xFFFFF086  }
0x25: {  	[simem:s6], [sflag:s4] =	dma.local [hbm:s3], $0xF7A  }
0x26: {  	[smem:$0x3F9F] =	sst s1;
	(tag) =	ssettag s2;
	_ =	strace s9  }
0x27: {  	s1 =	sld [smem:$0x3FAF]  }
0x28: {  	s2 =	sld [smem:$0x3FB0]  }
0x29: {  	s4 =	sld [smem:$0x3FB2]  }
0x2a: {  	p0 =	seq.s32 s5, $0x0;
	s5 =	sld [smem:$0x3FB3]  }
0x2b: {  	s6 =	sld [smem:$0x3FB4]  }
0x2c: {  	s7 =	sld [smem:$0x3FB5]  }
0x2d: {  	s3 =	simm.s32 $0x108;
	s8 =	sld [smem:$0x3FB6]  }
0x2e: {  	s3 =	simm.s32 @!p0 $0x1082;
	s9 =	sld [smem:$0x3FB7]  }
0x2f: {  	lr =	sadd.s32 s0, s3;
	s0 =	sld [smem:$0x3FAE]  }
0x30: {  	s3 =	sld [smem:$0x3FB1]  }
0x31: {  	[smem:$0x3FBA] =	sst s10  }
0x32: {  	s10 =	sld [smem:$0x3FB8];
	_ =	sdelay $0x3  }
0x33: {  	p0 =	seq.s32 s10, $0x1;
	s10 =	sld [smem:$0x3FBA];
	_ =	sdelay $0x3  }
0x34: {  	[smem:$0x3FBA] =	sst s10  }
0x35: {  	s10 =	sld [smem:$0x3FB9];
	_ =	sdelay $0x3  }
0x36: {  	p1 =	seq.s32 s10, $0x1;
	s10 =	sld [smem:$0x3FBA];
	_ =	sdelay $0x3  }
0x37: {  	[smem:$0x3FBA] =	sst s10  }
0x38: {  	s10 =	sld [smem:$0x3FBB]  }
0x39: {  	_ = 	snop;
	(pc) =	sbr.ind lr, $3  }
0x3a: {  	_ = 	snop  }
0x3b: {  	_ = 	snop  }
0x3c: {  	p2 =	seq.s32 s10, $0x1;
	s10 =	sld [smem:$0x3FBA]  }
0x3d: {  	_ =	shalt  }
0x3e: {  	_ =	shalt  }
0x3f: {  	_ =	shalt  }
0x40: {  	_ =	shalt  }
0x41: {  	_ =	shalt  }
0x42: {  	_ =	shalt  }
0x43: {  	_ =	shalt  }
0x44: {  	_ =	shalt  }
0x45: {  	_ =	shalt  }
0x46: {  	_ =	shalt  }
0x47: {  	_ =	shalt  }
0x48: {  	_ =	shalt  }
0x49: {  	_ =	shalt  }
0x4a: {  	_ =	shalt  }
0x4b: {  	_ =	shalt  }
0x4c: {  	_ =	shalt  }
0x4d: {  	_ =	shalt  }
0x4e: {  	_ =	shalt  }
0x4f: {  	_ =	shalt  }
0x50: {  	_ =	shalt  }
0x51: {  	_ =	shalt  }
0x52: {  	_ =	shalt  }
0x53: {  	_ =	shalt  }
0x54: {  	_ =	shalt  }
0x55: {  	_ =	shalt  }
0x56: {  	_ =	shalt  }
0x57: {  	_ =	shalt  }
0x58: {  	_ =	shalt  }
0x59: {  	_ =	shalt  }
0x5a: {  	_ =	shalt  }
0x5b: {  	_ =	shalt  }
0x5c: {  	_ =	shalt  }
0x5d: {  	_ =	shalt  }
0x5e: {  	_ =	shalt  }
0x5f: {  	_ =	shalt  }
0x60: {  	_ =	shalt  }
0x61: {  	_ =	shalt  }
0x62: {  	_ =	shalt  }
0x63: {  	_ =	shalt  }
0x64: {  	_ =	shalt  }
0x65: {  	_ =	shalt  }
0x66: {  	_ =	shalt  }
0x67: {  	_ =	shalt  }
0x68: {  	_ =	shalt  }
0x69: {  	_ =	shalt  }
0x6a: {  	_ =	shalt  }
0x6b: {  	_ =	shalt  }
0x6c: {  	_ =	shalt  }
0x6d: {  	_ =	shalt  }
0x6e: {  	_ =	shalt  }
0x6f: {  	_ =	shalt  }
0x70: {  	_ =	shalt  }
0x71: {  	_ =	shalt  }
0x72: {  	_ =	shalt  }
0x73: {  	_ =	shalt  }
0x74: {  	_ =	shalt  }
0x75: {  	_ =	shalt  }
0x76: {  	_ =	shalt  }
0x77: {  	_ =	shalt  }
0x78: {  	_ =	shalt  }
0x79: {  	_ =	shalt  }
0x7a: {  	_ =	shalt  }
0x7b: {  	_ =	shalt  }
0x7c: {  	_ =	shalt  }
0x7d: {  	_ =	shalt  }
0x7e: {  	_ =	shalt  }
0x7f: {  	_ =	shalt  }
0x80: {  	_ =	shalt  }
0x81: {  	_ =	shalt  }
0x82: {  	_ =	shalt  }
0x83: {  	_ =	shalt  }
0x84: {  	_ =	shalt  }
0x85: {  	_ =	shalt  }
0x86: {  	_ =	shalt  }
0x87: {  	_ =	shalt  }
.Lfunc_end0:
.L_simem_size_0:
called_computation_lowered:
.L_overlay_start_0:
0x88: {  	s2 =	sld [smem:$0x3FD9]  }
0x89: {  	s3 =	sld [smem:$0x3FFE];
	_ =	sdelay $0x1  }
0x8a: {  	s1 =	srdreg.scid  }
0x8b: {  	s0 =	sand.u32 $0x1, s1  }
0x8c: {  	s18 =	sshll.u32 s0, $0xA;
	s2 =	sadd.s32 s3, s2  }
0x8d: {  	s2 =	sadd.s32 s2, s18  }
0x8e: {  	[smem:$0x3FC6] =	sst s2  }
0x8f: {  	_ = 	snop  }
0x90: {  	s2 =	sld [smem:$0x3FC9]  }
0x91: {  	s19 =	sld [smem:$0x3FC8]  }
0x92: {  	s4 =	sld [smem:$0x3FD0];
	(tm) =	ssettm $0x1  }
0x93: {  	s5 =	sld [smem:$0x3FFB];
	_ =	sdelay $0x3  }
0x94: {  	_ =	strace s5  }
0x95: {  	s5 =	sld [smem:$0x3FFC];
	_ =	sdelay $0x3  }
0x96: {  	_ =	strace s5  }
0x97: {  	s5 =	sld [smem:$0x3FFD];
	_ =	sdelay $0x3  }
0x98: {  	_ =	strace s5  }
0x99: {  	_ =	strace $0x8FFFFFFF  }
0x9a: {  	s20 =	sld [smem:$0x3FDB];
	_ =	sdelay $0x1  }
0x9b: {  	s6 =	simm.s32 $_scs_section_size  }
0x9c: {  	s7 =	simm.s32 $_size__tile_overlayer_lowered;
	s8 =	simm.s32 $_tile_overlayer_lowered  }
0x9d: {  	s23 =	simm.s32 $0x1BFF;
	s22 =	sshll.u32 s8, $0x1;
	s5 =	sadd.s32 s6, s20  }
0x9e: {  	s9 =	simm.s32 $0x0;
	s21 =	sshll.u32 s7, $0x1;
	s7 =	sadd.s32 s22, s5  }
0x9f: {  	[timem:s9], [sflag:s23] =	dma.local [hbm:s7], s21  }
0xa0: {  	_ =	swait.ge [sflag:s23], s21  }
0xa1: {  	s6 =	ssub.s32 $0x0, s21;
	[sflag:s23] =	ssyncset.done $0x0  }
0xa2: {  	[sflag:s23] =	ssyncadd.s32 s6;
	_ =	sdelay $0x1  }
0xa3: {  	s24 =	simm.s32 $0x1B8B  }
0xa4: {  	_ =	swait.ge [sflag:s24], $0x1  }
0xa5: {  	[sflag:s24] =	ssyncset.done $0x0  }
0xa6: {  	s25 =	simm.s32 $0x1B8E;
	[sflag:s24] =	ssyncadd.s32 $0xFFFFFFFF  }
0xa7: {  	s26 =	simm.s32 $execute0_lowered;
	[smem:$0x3FD2] =	sst s25  }
0xa8: {  	s6 =	sshll.u32 s26, $0x1;
	_ =	strace $0x80000046;
	[dreg:$0x1] =	wrdreg $0xFFFFFFFF  }
0xa9: {  	s28 =	simm.s32 $_size_execute0_lowered;
	s5 =	sadd.s32 s5, s6;
	[dreg:$0x0] =	wrdreg $0x0  }
0xaa: {  	s6 =	sshll.u32 s28, $0x1;
	[dreg:$0x2] =	wrdreg s5  }
0xab: {  	[dreg:$0x3] =	wrdreg s6  }
0xac: {  	[dreg:$0x4] =	wrdreg $0xC0  }
0xad: {  	_ =	task [dreg:s9], $0x5FFFF  }
0xae: {  	[dreg:$0x1] =	wrdreg $0xFFFFFFFF  }
0xaf: {  	[dreg:$0x0] =	wrdreg $0x60  }
0xb0: {  	[dreg:$0x2] =	wrdreg s2  }
0xb1: {  	[dreg:$0x3] =	wrdreg s19  }
0xb2: {  	[dreg:$0x4] =	wrdreg s4  }
0xb3: {  	[dreg:$0x5] =	wrdreg $0x9  }
0xb4: {  	_ =	task.clear_ibuf [dreg:s9], $0x6FFFF;
	_ =	strace $0x90000046  }
0xb5: {  	s29 =	simm.s32 $0x9;
	_ =	strace $0x80000048  }
0xb6: {  	_ =	swait.ge [sflag:s29], $0x1  }
0xb7: {  	[sflag:s29] =	ssyncadd.s32 $0xFFFFFFFF  }
0xb8: {  	_ =	strace $0x90000048  }
0xb9: {  	_ =	sfence  }
0xba: {  	s30 =	sld [smem:$0x0];
	_ =	sdelay $0x2  }
0xbb: {  	s31 =	sshll.u32 s1, $0xD;
	s1 =	sshrl.u32 s1, $0x2  }
0xbc: {  	s3 =	sand.u32 $0x4000, s31;
	s1 =	sadd.s32 s1, s30  }
0xbd: {  	s0 =	sor.u32 s3, s0;
	s1 =	sshll.u32 s1, $0x11  }
0xbe: {  	s0 =	sor.u32 s1, s0  }
0xbf: {  	s0 =	sadd.s32 $0x8F2B, s0  }
0xc0: {  	[sflag:s0] =	ssyncadd.remote.s32 $0x1  }
0xc1: {  	_ =	sfence.sel $0xFFFF  }
0xc2: {  	[dreg:$0x0] =	wrdreg $0xFFFFFFFF;
	(pc) =	sbr.abs _section_cstart, $3  }
0xc3: {  	[dreg:$0x1] =	wrdreg $0xFFFFFFFF  }
0xc4: {  	_ =	task.clear_ibuf [dreg:s9], $0x2FFFF;
	_ =	strace $0x9FFFFFFF  }
0xc5: {  	(tm) =	ssettm $0x7FFFFFFF  }
tec
execute0_lowered:
.L_overlay_start_1:
0x0: {  	(tag) =	ssettag $0x1  }
0x1: {  	s0 =	rddreg [dreg:$0x0]  }
0x2: {  	s2 =	rddreg [dreg:$0x1];
	s1 =	srdreg.scid  }
0x3: {  	s4 =	stileid.u32;
	s3 =	rddreg [dreg:$0x2]  }
0x4: {  	s9 =	simm.s32 $0xB;
	s10 =	simm.s32 $0x80;
	s11 =	simm.s32 $0x6400  }
0x5: {  	s12 =	simm.s32 $0xA400;
	s13 =	simm.s32 $0xE400;
	s14 =	simm.s32 $0x1  }
0x6: {  	s15 =	simm.s32 $0x12400;
	s16 =	simm.s32 $0x2;
	s17 =	simm.s32 $0x16400  }
0x7: {  	s18 =	simm.s32 $0x3;
	s19 =	simm.s32 $0x4;
	s20 =	simm.s32 $0x5  }
0x8: {  	s21 =	simm.s32 $0x6;
	s1 =	sand.u32 $0x1, s1;
	s4 =	sshll.u32 s4, $0x1  }
0x9: {  	s22 =	simm.s32 $0x7;
	s23 =	simm.s32 $0x8;
	s6 =	sor.u32 s1, s4  }
0xa: {  	s24 =	simm.s32 $0x9;
	s25 =	simm.s32 $0xA;
	s5 =	smul.u32 $0x6400, s6  }
0xb: {  	s4 =	simm.s32 $0x0;
	s1 =	ssub.s32 $0x2, s1;
	s6 =	smul.u32 $0xC80, s6  }
0xc: {  	s26 =	simm.s32 $0x0;
	[smem:$0x7FF] =	sst s4;
	s7 =	sshrl.u32 s1, $0x1  }
0xd: {  	_ =	strace $0x80000047;
	s1 =	ssub.s32 s1, s7;
	s0 =	sadd.s32 s0, s6  }
0xe: {  	s7 =	sor.u32 $0x80, s5;
	s8 =	smax.u32 s1, $0x1;
	[dreg:$0x4] =	wrdreg s0  }
.LBB2_1:
0xf: {  	s0 =	rddreg [dreg:$0x4]  }
0x10: {  	[tilespmem:s4], [sflag:$0xB] =	stream.linear.gather [hbm4b:s0+s4], $0x6400, $0x38;
	[tilespmem:$0x1A400] =	vst v63  }
0x11: {  	_ =	swait.ge [sflag:s9], $0x6400  }
0x12: {  	[sflag:s9] =	ssyncset.done $0x0  }
0x13: {  	[sflag:s9] =	ssyncadd.s32 $0xFFFF9C00  }
0x14: {  	[tilespmem:s11], [sflag:$0x1] =	stream.indirect.gather [hbm4b:s2+s10], $0x80, s4, s10, $0xb8;
	[tilespmem:$0x1A400] =	vst v63  }
0x15: {  	s28 =	simm.s32 $0x0  }
0x16: {  	[tilespmem:s12], [sflag:$0x2] =	stream.indirect.gather [hbm4b:s2+s10], $0x80, s10, s10, $0xb8;
	[tilespmem:$0x1A400] =	vst v63  }
.LBB2_2:
0x17: {  	p0 =	seq.s32 s28, $0x0  }
0x18: {  	s0 =	simm.s32 @!p0 $0x8  }
0x19: {  	s29 =	smul.u32 $0x280, s28;
	_ =	swait.ge @!p0 [sflag:s0], $0x4000  }
0x1a: {  	[sflag:s0] =	ssyncset.done @!p0 $0x0  }
0x1b: {  	s31 =	sadd.s32 $0x100, s29;
	[sflag:s0] =	ssyncadd.s32 @!p0 $0xFFFFC000  }
0x1c: {  	[tilespmem:s13], [sflag:$0x3] =	stream.indirect.gather [hbm4b:s2+s10], $0x80, s31, s10, $0xb8;
	[tilespmem:$0x1A400] =	vst v63  }
0x1d: {  	_ =	swait.ge [sflag:s14], $0x4000  }
0x1e: {  	[sflag:s14] =	ssyncset.done $0x0  }
0x1f: {  	s30 =	simm.s32 $0x0;
	[sflag:s14] =	ssyncadd.s32 $0xFFFFC000  }
0x20: {  	v3 =	vld [tilespmem:s30+$0x6400]  }
0x21: {  	v5 =	vld [tilespmem:s30+$0x6410]  }
0x22: {  	v4 =	vld [tilespmem:s30+$0x6420]  }
0x23: {  	v2 =	vld [tilespmem:s30+$0x6430]  }
0x24: {  	v0 =	vld [tilespmem:s30+$0x6440]  }
0x25: {  	v1 =	vld [tilespmem:s30+$0x6450];
	v6 =	vmul.f32 $1.131370830e+01, v3  }
0x26: {  	s1 =	simm.s32 $0x200;
	v5 =	vmul.f32 $1.131370830e+01, v5;
	v3 =	vld [tilespmem:s30+$0x6460]  }
.LBB2_3:
0x27: {  	s0 =	sshra.s32 s1, $0x2;
	p1 =	sne.s32 s1, $0xFE00;
	[tilespmem:s30+$0x6400] =	vst v6;
	v4 =	vmul.f32 $1.131370830e+01, v4;
	v6 =	vld [tilespmem:s30+$0x6470]  }
0x28: {  	v7 =	vld [tilespmem:s0+$0x6400];
	[tilespmem:s30+$0x6410] =	vst v5;
	v2 =	vmul.f32 $1.131370830e+01, v2  }
0x29: {  	v5 =	vld [tilespmem:s0+$0x6410];
	[tilespmem:s30+$0x6420] =	vst v4;
	v0 =	vmul.f32 $1.131370830e+01, v0  }
.Ltmp0:
0x2a: {  	v4 =	vld [tilespmem:s0+$0x6420];
	[tilespmem:s30+$0x6430] =	vst v2;
	v1 =	vmul.f32 $1.131370830e+01, v1;
	(pc) =	sbr.rel @p1 .LBB2_3-.Ltmp0, $4  }
0x2b: {  	v2 =	vld [tilespmem:s0+$0x6430];
	[tilespmem:s30+$0x6440] =	vst v0;
	v3 =	vmul.f32 $1.131370830e+01, v3  }
0x2c: {  	v0 =	vld [tilespmem:s0+$0x6440];
	[tilespmem:s30+$0x6450] =	vst v1;
	v8 =	vmul.f32 $1.131370830e+01, v6  }
0x2d: {  	v6 =	vmul.f32 $1.131370830e+01, v7;
	v1 =	vld [tilespmem:s0+$0x6450];
	[tilespmem:s30+$0x6460] =	vst v3  }
0x2e: {  	s1 =	sadd.s32 $0x200, s1;
	v5 =	vmul.f32 $1.131370830e+01, v5;
	v3 =	vld [tilespmem:s0+$0x6460];
	[tilespmem:s30+$0x6470] =	vst v8;
	s30 =	smov.u32 s0  }
0x2f: {  	[tilespmem:s30+$0x6400] =	vst v6;
	v4 =	vmul.f32 $1.131370830e+01, v4;
	v6 =	vld [tilespmem:s30+$0x6470]  }
0x30: {  	[tilespmem:s30+$0x6410] =	vst v5;
	v2 =	vmul.f32 $1.131370830e+01, v2  }
0x31: {  	[tilespmem:s30+$0x6420] =	vst v4;
	v0 =	vmul.f32 $1.131370830e+01, v0  }
0x32: {  	[tilespmem:s30+$0x6430] =	vst v2;
	v1 =	vmul.f32 $1.131370830e+01, v1  }
0x33: {  	[tilespmem:s30+$0x6440] =	vst v0;
	v0 =	vmul.f32 $1.131370830e+01, v3  }
0x34: {  	s0 =	sadd.s32 s5, s29;
	[tilespmem:s30+$0x6450] =	vst v1;
	v1 =	vmul.f32 $1.131370830e+01, v6  }
0x35: {  	s0 =	sshll.u32 s0, $0x4;
	[tilespmem:s30+$0x6460] =	vst v0  }
0x36: {  	s0 =	sadd.s32 s3, s0;
	[tilespmem:s30+$0x6470] =	vst v1  }
0x37: {  	[hbm4b:s0+s4] =	stream.linear.scatter [tilespmem:s11], [sflag:$0x6], $0x4000, $0x38;
	[tilespmem:$0x1A400] =	vst v63  }
0x38: {  	s0 =	simm.s32 @!p0 $0x9  }
0x39: {  	_ =	swait.ge @!p0 [sflag:s0], $0x4000  }
0x3a: {  	[sflag:s0] =	ssyncset.done @!p0 $0x0  }
0x3b: {  	s30 =	sadd.s32 $0x180, s29;
	[sflag:s0] =	ssyncadd.s32 @!p0 $0xFFFFC000  }
0x3c: {  	[tilespmem:s15], [sflag:$0x4] =	stream.indirect.gather [hbm4b:s2+s10], $0x80, s30, s10, $0xb8;
	[tilespmem:$0x1A400] =	vst v63  }
0x3d: {  	_ =	swait.ge [sflag:s16], $0x4000  }
0x3e: {  	[sflag:s16] =	ssyncset.done $0x0  }
0x3f: {  	s1 =	simm.s32 $0x0;
	[sflag:s16] =	ssyncadd.s32 $0xFFFFC000  }
0x40: {  	v3 =	vld [tilespmem:s1+$0xA400]  }
0x41: {  	v5 =	vld [tilespmem:s1+$0xA410]  }
0x42: {  	v4 =	vld [tilespmem:s1+$0xA420]  }
0x43: {  	v2 =	vld [tilespmem:s1+$0xA430]  }
0x44: {  	v0 =	vld [tilespmem:s1+$0xA440]  }
0x45: {  	v1 =	vld [tilespmem:s1+$0xA450];
	v6 =	vmul.f32 $1.131370830e+01, v3  }
0x46: {  	s0 =	simm.s32 $0x200;
	v5 =	vmul.f32 $1.131370830e+01, v5;
	v3 =	vld [tilespmem:s1+$0xA460]  }
.LBB2_5:
0x47: {  	s6 =	sshra.s32 s0, $0x2;
	p1 =	sne.s32 s0, $0xFE00;
	[tilespmem:s1+$0xA400] =	vst v6;
	v4 =	vmul.f32 $1.131370830e+01, v4;
	v6 =	vld [tilespmem:s1+$0xA470]  }
0x48: {  	v7 =	vld [tilespmem:s6+$0xA400];
	[tilespmem:s1+$0xA410] =	vst v5;
	v2 =	vmul.f32 $1.131370830e+01, v2  }
0x49: {  	v5 =	vld [tilespmem:s6+$0xA410];
	[tilespmem:s1+$0xA420] =	vst v4;
	v0 =	vmul.f32 $1.131370830e+01, v0  }
.Ltmp1:
0x4a: {  	v4 =	vld [tilespmem:s6+$0xA420];
	[tilespmem:s1+$0xA430] =	vst v2;
	v1 =	vmul.f32 $1.131370830e+01, v1;
	(pc) =	sbr.rel @p1 .LBB2_5-.Ltmp1, $4  }
0x4b: {  	v2 =	vld [tilespmem:s6+$0xA430];
	[tilespmem:s1+$0xA440] =	vst v0;
	v3 =	vmul.f32 $1.131370830e+01, v3  }
0x4c: {  	v0 =	vld [tilespmem:s6+$0xA440];
	[tilespmem:s1+$0xA450] =	vst v1;
	v8 =	vmul.f32 $1.131370830e+01, v6  }
0x4d: {  	v6 =	vmul.f32 $1.131370830e+01, v7;
	v1 =	vld [tilespmem:s6+$0xA450];
	[tilespmem:s1+$0xA460] =	vst v3  }
0x4e: {  	s0 =	sadd.s32 $0x200, s0;
	v5 =	vmul.f32 $1.131370830e+01, v5;
	v3 =	vld [tilespmem:s6+$0xA460];
	[tilespmem:s1+$0xA470] =	vst v8;
	s1 =	smov.u32 s6  }
0x4f: {  	[tilespmem:s1+$0xA400] =	vst v6;
	v4 =	vmul.f32 $1.131370830e+01, v4;
	v6 =	vld [tilespmem:s1+$0xA470]  }
0x50: {  	[tilespmem:s1+$0xA410] =	vst v5;
	v2 =	vmul.f32 $1.131370830e+01, v2  }
0x51: {  	[tilespmem:s1+$0xA420] =	vst v4;
	v0 =	vmul.f32 $1.131370830e+01, v0  }
0x52: {  	[tilespmem:s1+$0xA430] =	vst v2;
	v1 =	vmul.f32 $1.131370830e+01, v1  }
0x53: {  	[tilespmem:s1+$0xA440] =	vst v0;
	v0 =	vmul.f32 $1.131370830e+01, v3  }
0x54: {  	s0 =	sadd.s32 s29, s7;
	[tilespmem:s1+$0xA450] =	vst v1;
	v1 =	vmul.f32 $1.131370830e+01, v6  }
0x55: {  	s0 =	sshll.u32 s0, $0x4;
	[tilespmem:s1+$0xA460] =	vst v0  }
0x56: {  	s0 =	sadd.s32 s3, s0;
	[tilespmem:s1+$0xA470] =	vst v1  }
0x57: {  	[hbm4b:s0+s4] =	stream.linear.scatter [tilespmem:s12], [sflag:$0x7], $0x4000, $0x38;
	[tilespmem:$0x1A400] =	vst v63  }
0x58: {  	s0 =	simm.s32 @!p0 $0xA  }
0x59: {  	_ =	swait.ge @!p0 [sflag:s0], $0x4000  }
0x5a: {  	[sflag:s0] =	ssyncset.done @!p0 $0x0  }
0x5b: {  	s29 =	sadd.s32 $0x200, s29;
	[sflag:s0] =	ssyncadd.s32 @!p0 $0xFFFFC000  }
0x5c: {  	[tilespmem:s17], [sflag:$0x5] =	stream.indirect.gather [hbm4b:s2+s10], $0x80, s29, s10, $0xb8;
	[tilespmem:$0x1A400] =	vst v63  }
0x5d: {  	_ =	swait.ge [sflag:s18], $0x4000  }
0x5e: {  	[sflag:s18] =	ssyncset.done $0x0  }
0x5f: {  	s1 =	simm.s32 $0x0;
	[sflag:s18] =	ssyncadd.s32 $0xFFFFC000  }
0x60: {  	v3 =	vld [tilespmem:s1+$0xE400]  }
0x61: {  	v5 =	vld [tilespmem:s1+$0xE410]  }
0x62: {  	v4 =	vld [tilespmem:s1+$0xE420]  }
0x63: {  	v2 =	vld [tilespmem:s1+$0xE430]  }
0x64: {  	v0 =	vld [tilespmem:s1+$0xE440]  }
0x65: {  	v1 =	vld [tilespmem:s1+$0xE450];
	v6 =	vmul.f32 $1.131370830e+01, v3  }
0x66: {  	s0 =	simm.s32 $0x200;
	v5 =	vmul.f32 $1.131370830e+01, v5;
	v3 =	vld [tilespmem:s1+$0xE460]  }
.LBB2_7:
0x67: {  	s6 =	sshra.s32 s0, $0x2;
	p0 =	sne.s32 s0, $0xFE00;
	[tilespmem:s1+$0xE400] =	vst v6;
	v4 =	vmul.f32 $1.131370830e+01, v4;
	v6 =	vld [tilespmem:s1+$0xE470]  }
0x68: {  	v7 =	vld [tilespmem:s6+$0xE400];
	[tilespmem:s1+$0xE410] =	vst v5;
	v2 =	vmul.f32 $1.131370830e+01, v2  }
0x69: {  	v5 =	vld [tilespmem:s6+$0xE410];
	[tilespmem:s1+$0xE420] =	vst v4;
	v0 =	vmul.f32 $1.131370830e+01, v0  }
.Ltmp2:
0x6a: {  	v4 =	vld [tilespmem:s6+$0xE420];
	[tilespmem:s1+$0xE430] =	vst v2;
	v1 =	vmul.f32 $1.131370830e+01, v1;
	(pc) =	sbr.rel @p0 .LBB2_7-.Ltmp2, $4  }
0x6b: {  	v2 =	vld [tilespmem:s6+$0xE430];
	[tilespmem:s1+$0xE440] =	vst v0;
	v3 =	vmul.f32 $1.131370830e+01, v3  }
0x6c: {  	v0 =	vld [tilespmem:s6+$0xE440];
	[tilespmem:s1+$0xE450] =	vst v1;
	v8 =	vmul.f32 $1.131370830e+01, v6  }
0x6d: {  	v6 =	vmul.f32 $1.131370830e+01, v7;
	v1 =	vld [tilespmem:s6+$0xE450];
	[tilespmem:s1+$0xE460] =	vst v3  }
0x6e: {  	s0 =	sadd.s32 $0x200, s0;
	v5 =	vmul.f32 $1.131370830e+01, v5;
	v3 =	vld [tilespmem:s6+$0xE460];
	[tilespmem:s1+$0xE470] =	vst v8;
	s1 =	smov.u32 s6  }
0x6f: {  	[tilespmem:s1+$0xE400] =	vst v6;
	v4 =	vmul.f32 $1.131370830e+01, v4;
	v6 =	vld [tilespmem:s1+$0xE470]  }
0x70: {  	[tilespmem:s1+$0xE410] =	vst v5;
	v2 =	vmul.f32 $1.131370830e+01, v2  }
0x71: {  	[tilespmem:s1+$0xE420] =	vst v4;
	v0 =	vmul.f32 $1.131370830e+01, v0  }
0x72: {  	[tilespmem:s1+$0xE430] =	vst v2;
	v1 =	vmul.f32 $1.131370830e+01, v1  }
0x73: {  	[tilespmem:s1+$0xE440] =	vst v0;
	v0 =	vmul.f32 $1.131370830e+01, v3  }
0x74: {  	s0 =	sadd.s32 s5, s31;
	[tilespmem:s1+$0xE450] =	vst v1;
	v1 =	vmul.f32 $1.131370830e+01, v6  }
0x75: {  	s0 =	sshll.u32 s0, $0x4;
	[tilespmem:s1+$0xE460] =	vst v0  }
0x76: {  	p0 =	seq.s32 s28, $0x27;
	s0 =	sadd.s32 s3, s0;
	[tilespmem:s1+$0xE470] =	vst v1  }
0x77: {  	[hbm4b:s0+s4] =	stream.linear.scatter [tilespmem:s13], [sflag:$0x8], $0x4000, $0x38;
	[tilespmem:$0x1A400] =	vst v63  }
0x78: {  	s1 =	smul.u32 @!p0 $0xA00, s28;
	s0 =	simm.s32 @!p0 $0x6  }
0x79: {  	_ =	swait.ge @!p0 [sflag:s0], $0x4000  }
0x7a: {  	s6 =	simm.s32 @!p0 $0x6400;
	s31 =	sshra.s32 @!p0 s1, $0x2;
	[sflag:s0] =	ssyncset.done @!p0 $0x0  }
0x7b: {  	s1 =	simm.s32 @!p0 $0x80;
	[sflag:s0] =	ssyncadd.s32 @!p0 $0xFFFFC000;
	s0 =	sadd.s32 @!p0 $0x280, s31  }
0x7c: {  	[tilespmem:s6], [sflag:$0x1] =	stream.indirect.gather @!p0 [hbm4b:s2+s1], $0x80, s0, s1, $0xb8;
	[tilespmem:$0x1A400] =	vst v63  }
0x7d: {  	_ =	swait.ge [sflag:s19], $0x4000  }
0x7e: {  	[sflag:s19] =	ssyncset.done $0x0  }
0x7f: {  	s1 =	simm.s32 $0x0;
	[sflag:s19] =	ssyncadd.s32 $0xFFFFC000  }
0x80: {  	v3 =	vld [tilespmem:s1+$0x12400]  }
0x81: {  	v5 =	vld [tilespmem:s1+$0x12410]  }
0x82: {  	v4 =	vld [tilespmem:s1+$0x12420]  }
0x83: {  	v2 =	vld [tilespmem:s1+$0x12430]  }
0x84: {  	v0 =	vld [tilespmem:s1+$0x12440]  }
0x85: {  	v1 =	vld [tilespmem:s1+$0x12450];
	v6 =	vmul.f32 $1.131370830e+01, v3  }
0x86: {  	s0 =	simm.s32 $0x200;
	v5 =	vmul.f32 $1.131370830e+01, v5;
	v3 =	vld [tilespmem:s1+$0x12460]  }
.LBB2_9:
0x87: {  	s6 =	sshra.s32 s0, $0x2;
	p1 =	sne.s32 s0, $0xFE00;
	[tilespmem:s1+$0x12400] =	vst v6;
	v4 =	vmul.f32 $1.131370830e+01, v4;
	v6 =	vld [tilespmem:s1+$0x12470]  }
0x88: {  	v7 =	vld [tilespmem:s6+$0x12400];
	[tilespmem:s1+$0x12410] =	vst v5;
	v2 =	vmul.f32 $1.131370830e+01, v2  }
0x89: {  	v5 =	vld [tilespmem:s6+$0x12410];
	[tilespmem:s1+$0x12420] =	vst v4;
	v0 =	vmul.f32 $1.131370830e+01, v0  }
.Ltmp3:
0x8a: {  	v4 =	vld [tilespmem:s6+$0x12420];
	[tilespmem:s1+$0x12430] =	vst v2;
	v1 =	vmul.f32 $1.131370830e+01, v1;
	(pc) =	sbr.rel @p1 .LBB2_9-.Ltmp3, $4  }
0x8b: {  	v2 =	vld [tilespmem:s6+$0x12430];
	[tilespmem:s1+$0x12440] =	vst v0;
	v3 =	vmul.f32 $1.131370830e+01, v3  }
0x8c: {  	v0 =	vld [tilespmem:s6+$0x12440];
	[tilespmem:s1+$0x12450] =	vst v1;
	v8 =	vmul.f32 $1.131370830e+01, v6  }
0x8d: {  	v6 =	vmul.f32 $1.131370830e+01, v7;
	v1 =	vld [tilespmem:s6+$0x12450];
	[tilespmem:s1+$0x12460] =	vst v3  }
0x8e: {  	s0 =	sadd.s32 $0x200, s0;
	v5 =	vmul.f32 $1.131370830e+01, v5;
	v3 =	vld [tilespmem:s6+$0x12460];
	[tilespmem:s1+$0x12470] =	vst v8;
	s1 =	smov.u32 s6  }
0x8f: {  	[tilespmem:s1+$0x12400] =	vst v6;
	v4 =	vmul.f32 $1.131370830e+01, v4;
	v6 =	vld [tilespmem:s1+$0x12470]  }
0x90: {  	[tilespmem:s1+$0x12410] =	vst v5;
	v2 =	vmul.f32 $1.131370830e+01, v2  }
0x91: {  	[tilespmem:s1+$0x12420] =	vst v4;
	v0 =	vmul.f32 $1.131370830e+01, v0  }
0x92: {  	[tilespmem:s1+$0x12430] =	vst v2;
	v1 =	vmul.f32 $1.131370830e+01, v1  }
0x93: {  	[tilespmem:s1+$0x12440] =	vst v0;
	v0 =	vmul.f32 $1.131370830e+01, v3  }
0x94: {  	s0 =	sadd.s32 s5, s30;
	[tilespmem:s1+$0x12450] =	vst v1;
	v1 =	vmul.f32 $1.131370830e+01, v6  }
0x95: {  	s0 =	sshll.u32 s0, $0x4;
	[tilespmem:s1+$0x12460] =	vst v0  }
0x96: {  	s0 =	sadd.s32 s3, s0;
	[tilespmem:s1+$0x12470] =	vst v1  }
0x97: {  	[hbm4b:s0+s4] =	stream.linear.scatter [tilespmem:s15], [sflag:$0x9], $0x4000, $0x38;
	[tilespmem:$0x1A400] =	vst v63  }
0x98: {  	s0 =	simm.s32 @!p0 $0x7  }
0x99: {  	_ =	swait.ge @!p0 [sflag:s0], $0x4000  }
0x9a: {  	s6 =	simm.s32 @!p0 $0xA400;
	[sflag:s0] =	ssyncset.done @!p0 $0x0  }
0x9b: {  	s1 =	simm.s32 @!p0 $0x80;
	[sflag:s0] =	ssyncadd.s32 @!p0 $0xFFFFC000;
	s0 =	sadd.s32 @!p0 $0x300, s31  }
0x9c: {  	[tilespmem:s6], [sflag:$0x2] =	stream.indirect.gather @!p0 [hbm4b:s2+s1], $0x80, s0, s1, $0xb8;
	[tilespmem:$0x1A400] =	vst v63  }
0x9d: {  	_ =	swait.ge [sflag:s20], $0x4000  }
0x9e: {  	[sflag:s20] =	ssyncset.done $0x0  }
0x9f: {  	s1 =	simm.s32 $0x0;
	[sflag:s20] =	ssyncadd.s32 $0xFFFFC000  }
0xa0: {  	v3 =	vld [tilespmem:s1+$0x16400]  }
0xa1: {  	v5 =	vld [tilespmem:s1+$0x16410]  }
0xa2: {  	v4 =	vld [tilespmem:s1+$0x16420]  }
0xa3: {  	v2 =	vld [tilespmem:s1+$0x16430]  }
0xa4: {  	v0 =	vld [tilespmem:s1+$0x16440]  }
0xa5: {  	v1 =	vld [tilespmem:s1+$0x16450];
	v6 =	vmul.f32 $1.131370830e+01, v3  }
0xa6: {  	s0 =	simm.s32 $0x200;
	v5 =	vmul.f32 $1.131370830e+01, v5;
	v3 =	vld [tilespmem:s1+$0x16460]  }
.LBB2_11:
0xa7: {  	s6 =	sshra.s32 s0, $0x2;
	p0 =	sne.s32 s0, $0xFE00;
	[tilespmem:s1+$0x16400] =	vst v6;
	v4 =	vmul.f32 $1.131370830e+01, v4;
	v6 =	vld [tilespmem:s1+$0x16470]  }
0xa8: {  	v7 =	vld [tilespmem:s6+$0x16400];
	[tilespmem:s1+$0x16410] =	vst v5;
	v2 =	vmul.f32 $1.131370830e+01, v2  }
0xa9: {  	v5 =	vld [tilespmem:s6+$0x16410];
	[tilespmem:s1+$0x16420] =	vst v4;
	v0 =	vmul.f32 $1.131370830e+01, v0  }
.Ltmp4:
0xaa: {  	v4 =	vld [tilespmem:s6+$0x16420];
	[tilespmem:s1+$0x16430] =	vst v2;
	v1 =	vmul.f32 $1.131370830e+01, v1;
	(pc) =	sbr.rel @p0 .LBB2_11-.Ltmp4, $4  }
0xab: {  	v2 =	vld [tilespmem:s6+$0x16430];
	[tilespmem:s1+$0x16440] =	vst v0;
	v3 =	vmul.f32 $1.131370830e+01, v3  }
0xac: {  	v0 =	vld [tilespmem:s6+$0x16440];
	[tilespmem:s1+$0x16450] =	vst v1;
	v8 =	vmul.f32 $1.131370830e+01, v6  }
0xad: {  	v6 =	vmul.f32 $1.131370830e+01, v7;
	v1 =	vld [tilespmem:s6+$0x16450];
	[tilespmem:s1+$0x16460] =	vst v3  }
0xae: {  	s0 =	sadd.s32 $0x200, s0;
	v5 =	vmul.f32 $1.131370830e+01, v5;
	v3 =	vld [tilespmem:s6+$0x16460];
	[tilespmem:s1+$0x16470] =	vst v8;
	s1 =	smov.u32 s6  }
0xaf: {  	[tilespmem:s1+$0x16400] =	vst v6;
	v4 =	vmul.f32 $1.131370830e+01, v4;
	v61 =	vld [tilespmem:s1+$0x16470]  }
0xb0: {  	[tilespmem:s1+$0x16410] =	vst v5;
	v2 =	vmul.f32 $1.131370830e+01, v2  }
0xb1: {  	s28 =	sadd.s32 $0x1, s28;
	[tilespmem:s1+$0x16420] =	vst v4;
	v0 =	vmul.f32 $1.131370830e+01, v0  }
0xb2: {  	p0 =	sne.s32 s28, $0x28;
	[tilespmem:s1+$0x16430] =	vst v2;
	v1 =	vmul.f32 $1.131370830e+01, v1  }
.Ltmp5:
0xb3: {  	[tilespmem:s1+$0x16440] =	vst v0;
	v62 =	vmul.f32 $1.131370830e+01, v3;
	(pc) =	sbr.rel @p0 .LBB2_2-.Ltmp5, $4  }
0xb4: {  	s0 =	sadd.s32 s5, s29;
	[tilespmem:s1+$0x16450] =	vst v1;
	v63 =	vmul.f32 $1.131370830e+01, v61  }
0xb5: {  	s0 =	sshll.u32 s0, $0x4;
	[tilespmem:s1+$0x16460] =	vst v62  }
0xb6: {  	s0 =	sadd.s32 s3, s0;
	[tilespmem:s1+$0x16470] =	vst v63  }
0xb7: {  	[hbm4b:s0+s4] =	stream.linear.scatter [tilespmem:s17], [sflag:$0xA], $0x4000, $0x38;
	[tilespmem:$0x1A400] =	vst v63  }
0xb8: {  	_ =	swait.ge [sflag:s21], $0x4000  }
0xb9: {  	[sflag:s21] =	ssyncset.done $0x0  }
0xba: {  	[sflag:s21] =	ssyncadd.s32 $0xFFFFC000  }
0xbb: {  	_ =	swait.ge [sflag:s22], $0x4000  }
0xbc: {  	[sflag:s22] =	ssyncset.done $0x0  }
0xbd: {  	[sflag:s22] =	ssyncadd.s32 $0xFFFFC000  }
0xbe: {  	_ =	swait.ge [sflag:s23], $0x4000  }
0xbf: {  	[sflag:s23] =	ssyncset.done $0x0  }
0xc0: {  	s26 =	sadd.s32 $0x1, s26;
	[sflag:s23] =	ssyncadd.s32 $0xFFFFC000  }
0xc1: {  	p0 =	sne.s32 s26, s8;
	_ =	swait.ge [sflag:s24], $0x4000  }
.Ltmp6:
0xc2: {  	[sflag:s24] =	ssyncset.done $0x0;
	(pc) =	sbr.rel @p0 .LBB2_1-.Ltmp6, $4  }
0xc3: {  	[sflag:s24] =	ssyncadd.s32 $0xFFFFC000  }
0xc4: {  	_ =	swait.ge [sflag:s25], $0x4000  }
0xc5: {  	[sflag:s25] =	ssyncset.done $0x0  }
0xc6: {  	[sflag:s25] =	ssyncadd.s32 $0xFFFFC000  }
0xc7: {  	_ =	sfence.sel $0x180000  }
0xc8: {  	[bflag:$0x0] =	sbarrier.arrive $0xFFFF  }
0xc9: {  	_ =	strace $0x90000047  }
0xca: {  	s0 =	stileid.u32;
	[bflag:$0x2] =	sbarrier.arrive $0xFFFF  }
0xcb: {  	p0 =	sne.s32 s0, $0x0;
	s0 =	rddreg [dreg:$0x3]  }
0xcc: {  	s0 =	sadd.s32 @!p0 $0x100000, s0  }
0xcd: {  	[sflag:s0] =	ssyncadd.tile.s32 @!p0 $0x1;
	_ =	shalt  }
.Lfunc_end2:
_tile_overlayer_lowered:
.L_overlay_start_2:
0xce: {  	(tag) =	ssettag $0x2  }
0xcf: {  	s0 =	rddreg [dreg:$0x0];
	s2 =	stileid.u32  }
0xd0: {  	s1 =	rddreg [dreg:$0x1];
	p0 =	sne.s32 s2, $0x0  }
0xd1: {  	s3 =	rddreg [dreg:$0x2];
	[bflag:$0x3] =	sbarrier.arrive $0xFFFF;
	s2 =	simm.s32 @!p0 $0x1C0B  }
0xd2: {  	[timem:s3], [sflag:s2] =	dma.local @!p0 [hbm:s0], s1  }
0xd3: {  	s0 =	simm.s32 @!p0 $0xB  }
0xd4: {  	_ =	swait.ge @!p0 [sflag:s0], s1  }
0xd5: {  	s1 =	ssub.s32 @!p0 $0x0, s1;
	[sflag:s0] =	ssyncset.done @!p0 $0x0  }
0xd6: {  	[sflag:s0] =	ssyncadd.s32 @!p0 s1  }
0xd7: {  	[bflag:$0x3] =	sbarrier.arrive $0xFFFF  }
0xd8: {  	_ =	shalt  }

</sc_bundles>
